<compile_context>
chip_gen: v7x
topology: tpu7x:2x2x1
jax: 0.10.2.dev20260603
libtpu: 0.0.44.dev20260713+nightly
codegen_flags: <defaults>
</compile_context>

<pallas_src>
import functools
import math

import jax
import jax.numpy as jnp
from jax import lax
from jax.experimental import pallas as pl
from jax.experimental.pallas import tpu as pltpu
from jax.experimental.pallas import tpu_sc as plsc

NUM_ATOMIC = 100
EMB = 128
EDGE_FEAT = 50
N_CONV = 3
FC = 128
GSTOP = 6.0
BWS = 1.0
RRATE = 2.0
NB = 16
NA = 64
NPAIR = NA * NA
NCELL = 125
NCP = 128
ROWC = NA * NCP
K = 128
NROWS = NB * NA
_OFF = [float(i) * (GSTOP / (EDGE_FEAT - 1)) for i in range(EDGE_FEAT)]
_COEFF = -0.5 / (BWS * (_OFF[1] - _OFF[0])) ** 2

_HI = jax.lax.Precision.HIGHEST


def _graph_body(pos_ref, cell_ref, nat_ref, grid_ref, d2_ref, rad_ref):
    posb = pos_ref[0]
    cellb = cell_ref[0]
    c0x, c0y, c0z = cellb[0, 0], cellb[0, 1], cellb[0, 2]
    c1x, c1y, c1z = cellb[1, 0], cellb[1, 1], cellb[1, 2]
    c2x, c2y, c2z = cellb[2, 0], cellb[2, 1], cellb[2, 2]
    vol = (c0x * (c1y * c2z - c1z * c2y)
           + c0y * (c1z * c2x - c1x * c2z)
           + c0z * (c1x * c2y - c1y * c2x))
    nat = nat_ref[0, 0, 0]
    av = jnp.abs(vol) / nat
    cr = jnp.exp(jnp.log(av) / 3.0)
    cr = (2.0 * cr + av / (cr * cr)) / 3.0
    cr = (2.0 * cr + av / (cr * cr)) / 3.0
    rad = RRATE * cr
    rad_ref[0] = rad.reshape(1, 1)

    ei = (lax.broadcasted_iota(jnp.int32, (NPAIR, NA), 0) // NA ==
          lax.broadcasted_iota(jnp.int32, (NPAIR, NA), 1)).astype(jnp.float32)
    ej = (lax.broadcasted_iota(jnp.int32, (NPAIR, NA), 0) % NA ==
          lax.broadcasted_iota(jnp.int32, (NPAIR, NA), 1)).astype(jnp.float32)
    p1 = jnp.dot(ei, posb, precision=_HI)
    p2 = jnp.dot(ej, posb, precision=_HI)
    delta = p1 - p2

    offt = lax.dot_general(cellb, grid_ref[...], (((0,), (1,)), ((), ())))
    t0 = p1[:, 0:1] - (p2[:, 0:1] + offt[0:1, :])
    t1 = p1[:, 1:2] - (p2[:, 1:2] + offt[1:2, :])
    t2 = p1[:, 2:3] - (p2[:, 2:3] + offt[2:3, :])
    d2 = t0 * t0 + t1 * t1 + t2 * t2
    cl = lax.broadcasted_iota(jnp.int32, (NPAIR, NCP), 1)
    mask = (d2 <= rad * rad) & (d2 > 1e-4) & (cl < NCELL)
    d2_ref[0] = jnp.where(mask, d2, 0.0)


def _sc_compact_body(d2_hbm, outj_hbm, outd_hbm, rowv, jbuf, dbuf):
    nsub = 16
    ncore = 2
    wid = lax.axis_index("s") * ncore + lax.axis_index("c")
    rows_per = NROWS // (nsub * ncore)

    zi = jnp.zeros((16,), jnp.int32)
    zf = jnp.zeros((16,), jnp.float32)

    def per_row(a, carry):
        row = wid * rows_per + a
        pltpu.sync_copy(d2_hbm.at[pl.ds(row * ROWC, ROWC)], rowv)
        for t in range(10):
            jbuf[pl.ds(t * 16, 16)] = zi
            dbuf[pl.ds(t * 16, 16)] = zf

        ones16 = jnp.ones((16,), jnp.int32)
        k16 = jnp.full((16,), K, jnp.int32)
        seven16 = jnp.full((16,), 7, jnp.int32)
        iota16 = lax.iota(jnp.int32, 16)

        def step(v, cnt):
            vec = rowv[pl.ds(v * 16, 16)]
            m = vec > zf
            cum = plsc.cumsum(ones16, mask=m)
            pos = cnt + cum - ones16
            base = lax.broadcast_in_dim(v * 16, (16,), ())
            j = lax.shift_right_logical(base + iota16, seven16)
            m2 = m & (pos < k16)
            plsc.store_scatter(jbuf, [pos], j, mask=m2)
            plsc.store_scatter(dbuf, [pos], vec, mask=m2)
            return cnt + plsc.all_reduce_population_count(m)

        lax.fori_loop(0, ROWC // 16, step, jnp.zeros((16,), jnp.int32),
                      unroll=8)
        pltpu.sync_copy(jbuf.at[pl.ds(0, K)], outj_hbm.at[pl.ds(row * K, K)])
        pltpu.sync_copy(dbuf.at[pl.ds(0, K)], outd_hbm.at[pl.ds(row * K, K)])
        return carry

    lax.fori_loop(0, rows_per, per_row, 0)


def _conv_body(anum_ref, j_ref, d2_ref, rad_ref, emb_ref, w1f_ref, w2f_ref,
               w3f_ref, bf_ref, w1s_ref, w2s_ref, w3s_ref, bs_ref, pool_ref):
    rad = rad_ref[0, 0, 0]
    anum = anum_ref[0]
    oha = (anum - 1 == lax.broadcasted_iota(jnp.int32, (NA, 128), 1)
           ).astype(jnp.float32)
    f = jnp.tanh(jnp.dot(oha, emb_ref[...], precision=_HI))

    j2f = j_ref[0].astype(jnp.float32)
    d2 = d2_ref[0]
    ew2d = jnp.where(d2 > 1e-4,
                     jnp.cos(jnp.sqrt(d2) * (math.pi / rad)) + 1.0, 0.0)
    vals = jnp.concatenate([j2f, d2, ew2d], axis=1)
    offs = (lax.broadcasted_iota(jnp.int32, (1, 128), 1).astype(jnp.float32)
            * (GSTOP / (EDGE_FEAT - 1)))

    nch = 4
    apc = NA // nch
    ch = apc * K
    k0 = lax.broadcasted_iota(jnp.int32, (ch, K), 0)
    ohk = (jnp.bitwise_and(k0, K - 1) ==
           lax.broadcasted_iota(jnp.int32, (ch, K), 1)).astype(jnp.float32)
    jiota = lax.broadcasted_iota(jnp.int32, (ch, NA), 1).astype(jnp.float32)

    for l in range(N_CONV):
        af = jnp.dot(f, w1f_ref[l])
        bfm = jnp.dot(f, w2f_ref[l])
        as_ = jnp.dot(f, w1s_ref[l])
        bsm = jnp.dot(f, w2s_ref[l])
        w3f_l, w3s_l = w3f_ref[l], w3s_ref[l]
        bf_l, bs_l = bf_ref[l], bs_ref[l]

        def chunk_body(c, aggr):
            r0 = lax.broadcasted_iota(jnp.int32, (ch, NA), 0)
            ohi = (c * apc + lax.shift_right_logical(r0, 7) ==
                   lax.broadcasted_iota(jnp.int32, (ch, NA), 1)
                   ).astype(jnp.float32)
            rows = jnp.dot(ohi, vals, precision=_HI)
            jf_e = jnp.sum(rows[:, :K] * ohk, axis=1, keepdims=True)
            d2_e = jnp.sum(rows[:, K:2 * K] * ohk, axis=1, keepdims=True)
            ew_e = jnp.sum(rows[:, 2 * K:] * ohk, axis=1, keepdims=True)
            ohj = (jf_e == jiota).astype(jnp.float32)
            dist = jnp.sqrt(d2_e)
            smear = jnp.exp(_COEFF * (dist - offs) ** 2)
            zf = (jnp.dot(ohi, af, precision=_HI)
                  + jnp.dot(ohj, bfm, precision=_HI)
                  + jnp.dot(smear, w3f_l) + bf_l)
            zs = (jnp.dot(ohi, as_, precision=_HI)
                  + jnp.dot(ohj, bsm, precision=_HI)
                  + jnp.dot(smear, w3s_l) + bs_l)
            msg = jax.nn.sigmoid(zf) * jax.nn.softplus(zs) * ew_e
            return aggr + lax.dot_general(ohi, msg, (((0,), (0,)), ((), ())),
                                          precision=_HI)

        aggr = lax.fori_loop(0, nch, chunk_body, jnp.zeros((NA, EMB),
                                                           jnp.float32))
        f = jax.nn.softplus(f + aggr)

    pool_ref[0, 0] = jnp.sum(f, axis=0) / float(NA)


def _head_body(pool_ref, fcw_ref, fcb_ref, fow_ref, fob_ref, out_ref):
    h = pool_ref[...]
    for l in range(3):
        w = fcw_ref[l]
        u = jnp.full((1, FC), 1.0 / math.sqrt(FC), jnp.float32)
        for _ in range(3):
            v = jnp.dot(u, w)
            v = v / (jnp.sqrt(jnp.sum(v * v)) + 1e-12)
            u = lax.dot_general(v, w, (((1,), (1,)), ((), ())))
            u = u / (jnp.sqrt(jnp.sum(u * u)) + 1e-12)
        sigma = jnp.sum(jnp.dot(u, w) * v)
        h = jax.nn.softplus(jnp.dot(h, w / sigma) + fcb_ref[l])
    out_ref[...] = jnp.dot(h, fow_ref[...]) + fob_ref[...]


def kernel(atomic_numbers, pos, cell, natoms, batch, emb, convWf, convbf,
           convWs, convbs, fcW, fcb, foW, fob):
    f32 = jnp.float32
    pospad = jnp.zeros((NB, NA, 8), f32).at[:, :, :3].set(
        pos.reshape(NB, NA, 3))
    cellpad = jnp.zeros((NB, 8, 8), f32).at[:, :3, :3].set(cell)
    natf = natoms.astype(f32).reshape(NB, 1, 1)
    r = jnp.arange(-2, 3, dtype=f32)
    grid = jnp.stack(jnp.meshgrid(r, r, r, indexing='ij'), axis=-1
                     ).reshape(-1, 3)
    gridpad = jnp.zeros((NCP, 8), f32).at[:NCELL, :3].set(grid)

    d2m, rad = pl.pallas_call(
        _graph_body,
        grid=(NB,),
        in_specs=[
            pl.BlockSpec((1, NA, 8), lambda b: (b, 0, 0)),
            pl.BlockSpec((1, 8, 8), lambda b: (b, 0, 0)),
            pl.BlockSpec((1, 1, 1), lambda b: (b, 0, 0)),
            pl.BlockSpec((NCP, 8), lambda b: (0, 0)),
        ],
        out_specs=[
            pl.BlockSpec((1, NPAIR, NCP), lambda b: (b, 0, 0)),
            pl.BlockSpec((1, 1, 1), lambda b: (b, 0, 0)),
        ],
        out_shape=[
            jax.ShapeDtypeStruct((NB, NPAIR, NCP), f32),
            jax.ShapeDtypeStruct((NB, 1, 1), f32),
        ],
    )(pospad, cellpad, natf, gridpad)

    d2flat = d2m.reshape(NROWS * ROWC)

    sc_compact = pl.kernel(
        _sc_compact_body,
        out_type=[
            jax.ShapeDtypeStruct((NROWS * K,), jnp.int32),
            jax.ShapeDtypeStruct((NROWS * K,), f32),
        ],
        mesh=plsc.VectorSubcoreMesh(core_axis_name="c", subcore_axis_name="s"),
        compiler_params=pltpu.CompilerParams(use_tc_tiling_on_sc=False,
                                             needs_layout_passes=False),
        scratch_types=[
            pltpu.VMEM((ROWC,), f32),
            pltpu.VMEM((160,), jnp.int32),
            pltpu.VMEM((160,), f32),
        ],
    )
    nbrj, nbrd2 = sc_compact(d2flat)

    anum3 = atomic_numbers.reshape(NB, NA, 1)
    j3 = nbrj.reshape(NB, NA, K)
    d3 = nbrd2.reshape(NB, NA, K)
    embpad = jnp.zeros((128, 128), f32).at[:NUM_ATOMIC, :].set(emb)
    w1f = convWf[:, :EMB, :]
    w2f = convWf[:, EMB:2 * EMB, :]
    w3f = jnp.zeros((N_CONV, 128, 128), f32).at[:, :EDGE_FEAT, :].set(
        convWf[:, 2 * EMB:, :])
    w1s = convWs[:, :EMB, :]
    w2s = convWs[:, EMB:2 * EMB, :]
    w3s = jnp.zeros((N_CONV, 128, 128), f32).at[:, :EDGE_FEAT, :].set(
        convWs[:, 2 * EMB:, :])
    bf2 = convbf.reshape(N_CONV, 1, EMB)
    bs2 = convbs.reshape(N_CONV, 1, EMB)

    full = lambda *shape: pl.BlockSpec(shape, lambda b: (0,) * len(shape))
    pooled = pl.pallas_call(
        _conv_body,
        grid=(NB,),
        in_specs=[
            pl.BlockSpec((1, NA, 1), lambda b: (b, 0, 0)),
            pl.BlockSpec((1, NA, K), lambda b: (b, 0, 0)),
            pl.BlockSpec((1, NA, K), lambda b: (b, 0, 0)),
            pl.BlockSpec((1, 1, 1), lambda b: (b, 0, 0)),
            full(128, 128),
            full(N_CONV, EMB, EMB), full(N_CONV, EMB, EMB),
            full(N_CONV, 128, 128), full(N_CONV, 1, EMB),
            full(N_CONV, EMB, EMB), full(N_CONV, EMB, EMB),
            full(N_CONV, 128, 128), full(N_CONV, 1, EMB),
        ],
        out_specs=pl.BlockSpec((1, 1, EMB), lambda b: (b, 0, 0)),
        out_shape=jax.ShapeDtypeStruct((NB, 1, EMB), f32),
    )(anum3, j3, d3, rad, embpad, w1f, w2f, w3f, bf2, w1s, w2s, w3s, bs2)
    pooled = pooled.reshape(NB, EMB)

    fcb2 = fcb.reshape(3, 1, FC)
    fowpad = jnp.zeros((FC, 128), f32).at[:, 0].set(foW[:, 0])
    fobpad = jnp.zeros((1, 128), f32).at[0, 0].set(fob[0])
    outw = pl.pallas_call(
        _head_body,
        out_shape=jax.ShapeDtypeStruct((NB, 128), f32),
    )(pooled, fcW, fcb2, fowpad, fobpad)
    return outw[:, :1]

# --- scband reference (transcript-rebuilt; emitter-appended) ---
"""Pipeline reference for scband-continuous-energy-predictor-17617955848231 (READ-ONLY COPY).

The authoritative reference and input builder live on the scoring server;
editing this copy changes nothing except your own understanding.
"""

import math
import jax, jax.numpy as jnp
import numpy as np

NUM_ATOMIC = 100
EMB = 128
EDGE_FEAT = 50
N_CONV = 3
FC = 128
N_FC = 4
GSTOP = 6.0
BWS = 1.0
RRATE = 2.0
B = 16
NATOMS_PER = 64
N = B * NATOMS_PER
R_MAX = 2


def gaussian_smearing(d):
    offset = jnp.linspace(0.0, GSTOP, EDGE_FEAT)
    coeff = -0.5 / (BWS * (offset[1] - offset[0])) ** 2
    return jnp.exp(coeff * (d[:, None] - offset[None, :]) ** 2)


def spectral_normalize(W):
    u = jnp.ones((W.shape[0],), dtype=W.dtype) / math.sqrt(W.shape[0])
    v = None
    for _ in range(3):
        v = W.T @ u
        v = v / (jnp.linalg.norm(v) + 1e-12)
        u = W @ v
        u = u / (jnp.linalg.norm(u) + 1e-12)
    sigma = jax.lax.stop_gradient(u) @ W @ jax.lax.stop_gradient(v)
    return W / sigma


def construct_graph(pos, cell, natoms, batch):
    nb = natoms.shape[0]
    n_per = pos.shape[0] // nb
    n_sq = n_per * n_per
    cross_a2a3 = jnp.cross(cell[:, 1], cell[:, 2])
    cell_vol = jnp.sum(cell[:, 0] * cross_a2a3, axis=-1, keepdims=True)
    radius = RRATE * (jnp.abs(cell_vol.reshape(-1)) / natoms) ** (1.0 / 3.0)
    r = jnp.arange(-R_MAX, R_MAX + 1, dtype=jnp.float32)
    grid = jnp.stack(jnp.meshgrid(r, r, r, indexing='ij'), axis=-1).reshape(-1, 3)
    ncell = grid.shape[0]
    count = jnp.arange(n_sq)
    index1 = jnp.repeat(count // n_per, ncell)
    index2 = jnp.repeat(count % n_per, ncell)
    pbc = jnp.einsum('kc,bcd->bkd', grid, cell)
    pbc = jnp.tile(pbc, (1, n_sq, 1))
    posb = pos.reshape(nb, n_per, 3)
    pos1 = posb[:, index1, :]
    pos2 = posb[:, index2, :] + pbc
    d2 = jnp.sum((pos1 - pos2) ** 2, axis=-1)
    radius_e = radius[:, None]
    mask = (d2 <= radius_e * radius_e) & (d2 > 0.0001)
    dist = jnp.sqrt(d2)
    return index1, index2, dist, radius, mask


def setup_inputs(seed: int = 0):
    key = jax.random.key(seed)
    ks = jax.random.split(key, 10)
    atomic_numbers = jax.random.randint(ks[0], (N,), 1, NUM_ATOMIC + 1)
    pos = jax.random.uniform(ks[1], (N, 3), dtype=jnp.float32) * 10.0
    cell = jnp.tile(jnp.eye(3, dtype=jnp.float32) * 10.0, (B, 1, 1)) + 0.05 * jax.random.normal(ks[2], (B, 3, 3), dtype=jnp.float32)
    natoms = jnp.full((B,), NATOMS_PER, dtype=jnp.int32)
    batch = jnp.repeat(jnp.arange(B), NATOMS_PER)
    Z = 2 * EMB + EDGE_FEAT
    emb = jax.random.normal(ks[3], (NUM_ATOMIC, EMB), dtype=jnp.float32) * 0.05
    convWf = jax.random.normal(ks[4], (N_CONV, Z, EMB), dtype=jnp.float32) * 0.05
    convbf = jnp.zeros((N_CONV, EMB), dtype=jnp.float32)
    convWs = jax.random.normal(ks[5], (N_CONV, Z, EMB), dtype=jnp.float32) * 0.05
    convbs = jnp.zeros((N_CONV, EMB), dtype=jnp.float32)
    fcW = jax.random.normal(ks[6], (N_FC - 1, FC, FC), dtype=jnp.float32) * 0.05
    fcb = jnp.zeros((N_FC - 1, FC), dtype=jnp.float32)
    foW = jax.random.normal(ks[7], (FC, 1), dtype=jnp.float32) * 0.05
    fob = jnp.zeros((1,), dtype=jnp.float32)
    return {"atomic_numbers": atomic_numbers, "pos": pos, "cell": cell, "natoms": natoms, "batch": batch, "emb": emb, "convWf": convWf, "convbf": convbf, "convWs": convWs, "convbs": convbs, "fcW": fcW, "fcb": fcb, "foW": foW, "fob": fob}


def reference(atomic_numbers, pos, cell, natoms, batch, emb, convWf, convbf, convWs, convbs, fcW, fcb, foW, fob):
    index1, index2, dist, radius, mask = construct_graph(pos, cell, natoms, batch)
    feat = jnp.tanh(emb[atomic_numbers - 1])
    n = feat.shape[0]
    nb = radius.shape[0]
    n_per = n // nb
    edge_weight = jnp.where(mask, jnp.cos(dist * math.pi / radius[:, None]) + 1.0, 0.0)[..., None]

    def conv_structure(args):
        f, dist_b, ew_b = args
        edge_attr = gaussian_smearing(dist_b)
        for l in range(N_CONV):
            z = jnp.concatenate([f[index1], f[index2], edge_attr], axis=1)
            msg = jax.nn.sigmoid(z @ convWf[l] + convbf[l]) * jax.nn.softplus(z @ convWs[l] + convbs[l]) * ew_b
            f = jax.nn.softplus(f + jax.ops.segment_sum(msg, index1, num_segments=n_per))
        return f

    feat = jax.lax.map(conv_structure, (feat.reshape(nb, n_per, EMB), dist, edge_weight))
    feat = feat.reshape(n, EMB)
    counts = jax.ops.segment_sum(jnp.ones((n,), dtype=jnp.float32), batch, num_segments=B)
    pooled = jax.ops.segment_sum(feat, batch, num_segments=B) / jnp.maximum(counts, 1.0)[:, None]
    h = pooled
    for l in range(N_FC - 1):
        h = jax.nn.softplus(h @ spectral_normalize(fcW[l]) + fcb[l])
    return h @ foW + fob

if __name__ == "__main__":
    import jax
    _d = setup_inputs()
    print(jax.jit(kernel)(*tuple(_d.values())))

</pallas_src>

<mosaic_0001>
#map = affine_map<(d0, d1) -> (0)>
module attributes {stable_mosaic.version = 14 : i64} {
  func.func @_sc_compact_body(%arg0: i32, %arg1: i32, %arg2: memref<8388608xf32, #tpu.memory_space<hbm>>, %arg3: memref<131072xi32, #tpu.memory_space<hbm>>, %arg4: memref<131072xf32, #tpu.memory_space<hbm>>, %arg5: memref<8192xf32, #tpu.memory_space<vmem>>, %arg6: memref<160xi32, #tpu.memory_space<vmem>>, %arg7: memref<160xf32, #tpu.memory_space<vmem>>) attributes {dimension_semantics = [#tpu.dimension_semantics<core_parallel>, #tpu.dimension_semantics<subcore_parallel>], iteration_bounds = array<i64: 2, 16>, scalar_prefetch = 0 : i64, scratch_operands = 3 : i64, tpu.core_type = #tpu.core_type<sc_vector_subcore>, window_params = [{transform_indices = #map}, {transform_indices = #map}, {transform_indices = #map}]} {
    %mul3A = arith.constant 2 : i32
    %mul3A_0 = arith.muli %arg1, %mul3A : i32
    %add3A = arith.addi %mul3A_0, %arg0 : i32
    %broadcast_in_dim3A = arith.constant 0 : i32
    %broadcast_in_dim3A_1 = vector.broadcast %broadcast_in_dim3A : i32 to vector<16xi32>
    %broadcast_in_dim3A_2 = arith.constant 0.000000e+00 : f32
    %broadcast_in_dim3A_3 = vector.broadcast %broadcast_in_dim3A_2 : f32 to vector<16xf32>
    %scan3A = arith.constant 0 : i32
    %scan3A_4 = arith.constant 0 : i32
    %scan3A_5 = arith.constant 32 : i32
    %scan3A_6 = arith.addi %scan3A_4, %scan3A_5 : i32
    %scan3A_7 = arith.constant 1 : i32
    scf.for %scan3A_9 = %scan3A_4 to %scan3A_6 step %scan3A_7  : i32 {
      %mul3A_10 = arith.constant 32 : i32
      %mul3A_11 = arith.muli %add3A, %mul3A_10 : i32
      %add3A_12 = arith.addi %mul3A_11, %scan3A_9 : i32
      %mul3A_13 = arith.constant 8192 : i32
      %mul3A_14 = arith.muli %add3A_12, %mul3A_13 : i32
      "tpu.region"() ({
        %run_scoped3A = tpu.sem_alloc : memref<!tpu.dma_semaphore, #tpu.memory_space<semaphore_mem>>
        %dma_start3A = tpu.memref_slice %arg2[%mul3A_14] : memref<8388608xf32, #tpu.memory_space<hbm>> -> memref<8192xf32, #tpu.memory_space<hbm>>
        %dma_start3A_72 = tpu.memref_slice %arg2[%mul3A_14] : memref<8388608xf32, #tpu.memory_space<hbm>> -> memref<8192xf32, #tpu.memory_space<hbm>>
        tpu.enqueue_dma source(%dma_start3A_72 : memref<8192xf32, #tpu.memory_space<hbm>>) target(%arg5 : memref<8192xf32, #tpu.memory_space<vmem>>) target_semaphore(%run_scoped3A : memref<!tpu.dma_semaphore, #tpu.memory_space<semaphore_mem>>)
        %dma_wait3A = tpu.memref_slice %arg2[%mul3A_14] : memref<8388608xf32, #tpu.memory_space<hbm>> -> memref<8192xf32, #tpu.memory_space<hbm>>
        %dma_wait3A_73 = tpu.memref_slice %arg2[%mul3A_14] : memref<8388608xf32, #tpu.memory_space<hbm>> -> memref<8192xf32, #tpu.memory_space<hbm>>
        tpu.wait_dma2 semaphore(%run_scoped3A : memref<!tpu.dma_semaphore, #tpu.memory_space<semaphore_mem>>) src(%dma_wait3A_73 : memref<8192xf32, #tpu.memory_space<hbm>>) dst(%arg5 : memref<8192xf32, #tpu.memory_space<vmem>>)
        tpu.yield
      }) : () -> ()
      %swap3A = arith.constant 0 : index
      %swap3A_15 = tpu.vector_load %arg6[%swap3A] {strides = array<i32>} : memref<160xi32, #tpu.memory_space<vmem>>, vector<16xi32>,
      tpu.vector_store %arg6[%swap3A], %broadcast_in_dim3A_1 {strides = array<i32>} : memref<160xi32, #tpu.memory_space<vmem>>, vector<16xi32>,
      %swap3A_16 = arith.constant 0 : index
      %swap3A_17 = tpu.vector_load %arg7[%swap3A_16] {strides = array<i32>} : memref<160xf32, #tpu.memory_space<vmem>>, vector<16xf32>,
      tpu.vector_store %arg7[%swap3A_16], %broadcast_in_dim3A_3 {strides = array<i32>} : memref<160xf32, #tpu.memory_space<vmem>>, vector<16xf32>,
      %swap3A_18 = arith.constant 16 : index
      %swap3A_19 = tpu.vector_load %arg6[%swap3A_18] {strides = array<i32>} : memref<160xi32, #tpu.memory_space<vmem>>, vector<16xi32>,
      tpu.vector_store %arg6[%swap3A_18], %broadcast_in_dim3A_1 {strides = array<i32>} : memref<160xi32, #tpu.memory_space<vmem>>, vector<16xi32>,
      %swap3A_20 = arith.constant 16 : index
      %swap3A_21 = tpu.vector_load %arg7[%swap3A_20] {strides = array<i32>} : memref<160xf32, #tpu.memory_space<vmem>>, vector<16xf32>,
      tpu.vector_store %arg7[%swap3A_20], %broadcast_in_dim3A_3 {strides = array<i32>} : memref<160xf32, #tpu.memory_space<vmem>>, vector<16xf32>,
      %swap3A_22 = arith.constant 32 : index
      %swap3A_23 = tpu.vector_load %arg6[%swap3A_22] {strides = array<i32>} : memref<160xi32, #tpu.memory_space<vmem>>, vector<16xi32>,
      tpu.vector_store %arg6[%swap3A_22], %broadcast_in_dim3A_1 {strides = array<i32>} : memref<160xi32, #tpu.memory_space<vmem>>, vector<16xi32>,
      %swap3A_24 = arith.constant 32 : index
      %swap3A_25 = tpu.vector_load %arg7[%swap3A_24] {strides = array<i32>} : memref<160xf32, #tpu.memory_space<vmem>>, vector<16xf32>,
      tpu.vector_store %arg7[%swap3A_24], %broadcast_in_dim3A_3 {strides = array<i32>} : memref<160xf32, #tpu.memory_space<vmem>>, vector<16xf32>,
      %swap3A_26 = arith.constant 48 : index
      %swap3A_27 = tpu.vector_load %arg6[%swap3A_26] {strides = array<i32>} : memref<160xi32, #tpu.memory_space<vmem>>, vector<16xi32>,
      tpu.vector_store %arg6[%swap3A_26], %broadcast_in_dim3A_1 {strides = array<i32>} : memref<160xi32, #tpu.memory_space<vmem>>, vector<16xi32>,
      %swap3A_28 = arith.constant 48 : index
      %swap3A_29 = tpu.vector_load %arg7[%swap3A_28] {strides = array<i32>} : memref<160xf32, #tpu.memory_space<vmem>>, vector<16xf32>,
      tpu.vector_store %arg7[%swap3A_28], %broadcast_in_dim3A_3 {strides = array<i32>} : memref<160xf32, #tpu.memory_space<vmem>>, vector<16xf32>,
      %swap3A_30 = arith.constant 64 : index
      %swap3A_31 = tpu.vector_load %arg6[%swap3A_30] {strides = array<i32>} : memref<160xi32, #tpu.memory_space<vmem>>, vector<16xi32>,
      tpu.vector_store %arg6[%swap3A_30], %broadcast_in_dim3A_1 {strides = array<i32>} : memref<160xi32, #tpu.memory_space<vmem>>, vector<16xi32>,
      %swap3A_32 = arith.constant 64 : index
      %swap3A_33 = tpu.vector_load %arg7[%swap3A_32] {strides = array<i32>} : memref<160xf32, #tpu.memory_space<vmem>>, vector<16xf32>,
      tpu.vector_store %arg7[%swap3A_32], %broadcast_in_dim3A_3 {strides = array<i32>} : memref<160xf32, #tpu.memory_space<vmem>>, vector<16xf32>,
      %swap3A_34 = arith.constant 80 : index
      %swap3A_35 = tpu.vector_load %arg6[%swap3A_34] {strides = array<i32>} : memref<160xi32, #tpu.memory_space<vmem>>, vector<16xi32>,
      tpu.vector_store %arg6[%swap3A_34], %broadcast_in_dim3A_1 {strides = array<i32>} : memref<160xi32, #tpu.memory_space<vmem>>, vector<16xi32>,
      %swap3A_36 = arith.constant 80 : index
      %swap3A_37 = tpu.vector_load %arg7[%swap3A_36] {strides = array<i32>} : memref<160xf32, #tpu.memory_space<vmem>>, vector<16xf32>,
      tpu.vector_store %arg7[%swap3A_36], %broadcast_in_dim3A_3 {strides = array<i32>} : memref<160xf32, #tpu.memory_space<vmem>>, vector<16xf32>,
      %swap3A_38 = arith.constant 96 : index
      %swap3A_39 = tpu.vector_load %arg6[%swap3A_38] {strides = array<i32>} : memref<160xi32, #tpu.memory_space<vmem>>, vector<16xi32>,
      tpu.vector_store %arg6[%swap3A_38], %broadcast_in_dim3A_1 {strides = array<i32>} : memref<160xi32, #tpu.memory_space<vmem>>, vector<16xi32>,
      %swap3A_40 = arith.constant 96 : index
      %swap3A_41 = tpu.vector_load %arg7[%swap3A_40] {strides = array<i32>} : memref<160xf32, #tpu.memory_space<vmem>>, vector<16xf32>,
      tpu.vector_store %arg7[%swap3A_40], %broadcast_in_dim3A_3 {strides = array<i32>} : memref<160xf32, #tpu.memory_space<vmem>>, vector<16xf32>,
      %swap3A_42 = arith.constant 112 : index
      %swap3A_43 = tpu.vector_load %arg6[%swap3A_42] {strides = array<i32>} : memref<160xi32, #tpu.memory_space<vmem>>, vector<16xi32>,
      tpu.vector_store %arg6[%swap3A_42], %broadcast_in_dim3A_1 {strides = array<i32>} : memref<160xi32, #tpu.memory_space<vmem>>, vector<16xi32>,
      %swap3A_44 = arith.constant 112 : index
      %swap3A_45 = tpu.vector_load %arg7[%swap3A_44] {strides = array<i32>} : memref<160xf32, #tpu.memory_space<vmem>>, vector<16xf32>,
      tpu.vector_store %arg7[%swap3A_44], %broadcast_in_dim3A_3 {strides = array<i32>} : memref<160xf32, #tpu.memory_space<vmem>>, vector<16xf32>,
      %swap3A_46 = arith.constant 128 : index
      %swap3A_47 = tpu.vector_load %arg6[%swap3A_46] {strides = array<i32>} : memref<160xi32, #tpu.memory_space<vmem>>, vector<16xi32>,
      tpu.vector_store %arg6[%swap3A_46], %broadcast_in_dim3A_1 {strides = array<i32>} : memref<160xi32, #tpu.memory_space<vmem>>, vector<16xi32>,
      %swap3A_48 = arith.constant 128 : index
      %swap3A_49 = tpu.vector_load %arg7[%swap3A_48] {strides = array<i32>} : memref<160xf32, #tpu.memory_space<vmem>>, vector<16xf32>,
      tpu.vector_store %arg7[%swap3A_48], %broadcast_in_dim3A_3 {strides = array<i32>} : memref<160xf32, #tpu.memory_space<vmem>>, vector<16xf32>,
      %swap3A_50 = arith.constant 144 : index
      %swap3A_51 = tpu.vector_load %arg6[%swap3A_50] {strides = array<i32>} : memref<160xi32, #tpu.memory_space<vmem>>, vector<16xi32>,
      tpu.vector_store %arg6[%swap3A_50], %broadcast_in_dim3A_1 {strides = array<i32>} : memref<160xi32, #tpu.memory_space<vmem>>, vector<16xi32>,
      %swap3A_52 = arith.constant 144 : index
      %swap3A_53 = tpu.vector_load %arg7[%swap3A_52] {strides = array<i32>} : memref<160xf32, #tpu.memory_space<vmem>>, vector<16xf32>,
      tpu.vector_store %arg7[%swap3A_52], %broadcast_in_dim3A_3 {strides = array<i32>} : memref<160xf32, #tpu.memory_space<vmem>>, vector<16xf32>,
      %broadcast_in_dim3A_54 = arith.constant 1 : i32
      %broadcast_in_dim3A_55 = vector.broadcast %broadcast_in_dim3A_54 : i32 to vector<16xi32>
      %broadcast_in_dim3A_56 = arith.constant 128 : i32
      %broadcast_in_dim3A_57 = vector.broadcast %broadcast_in_dim3A_56 : i32 to vector<16xi32>
      %broadcast_in_dim3A_58 = arith.constant 7 : i32
      %broadcast_in_dim3A_59 = vector.broadcast %broadcast_in_dim3A_58 : i32 to vector<16xi32>
      %iota3A = tpu.iota {dimensions = array<i32: 0>} : vector<16xi32>
      %broadcast_in_dim3A_60 = arith.constant 0 : i32
      %broadcast_in_dim3A_61 = vector.broadcast %broadcast_in_dim3A_60 : i32 to vector<16xi32>
      %scan3A_62 = arith.constant 0 : i32
      %scan3A_63 = arith.constant 512 : i32
      %scan3A_64 = arith.addi %scan3A_62, %scan3A_63 : i32
      %scan3A_65 = arith.constant 8 : i32
      %scan3A_66 = scf.for %scan3A_72 = %scan3A_62 to %scan3A_64 step %scan3A_65 iter_args(%scan3A_73 = %broadcast_in_dim3A_61) -> (vector<16xi32>)  : i32 {
        %mul3A_74 = arith.constant 16 : i32
        %mul3A_75 = arith.muli %scan3A_72, %mul3A_74 : i32
        %get3A = arith.index_cast %mul3A_75 : i32 to index
        %get3A_76 = tpu.vector_load %arg5[%get3A] {strides = array<i32>} : memref<8192xf32, #tpu.memory_space<vmem>>, vector<16xf32>,
        %gt3A = arith.cmpf ogt, %get3A_76, %broadcast_in_dim3A_3 : vector<16xf32>
        %masked_cumsum3A = tpu.scan <sum>, %broadcast_in_dim3A_55 masked %gt3A : vector<16xi32>, vector<16xi1> -> vector<16xi32>
        %add3A_77 = arith.addi %scan3A_73, %masked_cumsum3A : vector<16xi32>
        %sub3A = arith.subi %add3A_77, %broadcast_in_dim3A_55 : vector<16xi32>
        %mul3A_78 = arith.constant 16 : i32
        %mul3A_79 = arith.muli %scan3A_72, %mul3A_78 : i32
        %broadcast_in_dim3A_80 = vector.broadcast %mul3A_79 : i32 to vector<16xi32>
        %add3A_81 = arith.addi %broadcast_in_dim3A_80, %iota3A : vector<16xi32>
        %shift_right_logical3A = arith.shrui %add3A_81, %broadcast_in_dim3A_59 : vector<16xi32>
        %lt3A = arith.cmpi slt, %sub3A, %broadcast_in_dim3A_57 : vector<16xi32>
        %and3A = arith.andi %gt3A, %lt3A : vector<16xi1>
        tpu.vector_store_idx %arg6[%sub3A], %shift_right_logical3A masked %and3A : memref<160xi32, #tpu.memory_space<vmem>>[vector<16xi32>], vector<16xi32>, vector<16xi1>
        tpu.vector_store_idx %arg7[%sub3A], %get3A_76 masked %and3A : memref<160xf32, #tpu.memory_space<vmem>>[vector<16xi32>], vector<16xf32>, vector<16xi1>
        %all_reduce_population_count3A = tpu.all_reduce %gt3A {dim = 0 : i64, kind = #tpu.reduction_kind<sum>} : vector<16xi1> -> vector<16xi32>
        %add3A_82 = arith.addi %scan3A_73, %all_reduce_population_count3A : vector<16xi32>
        %scan3A_83 = arith.constant 1 : i32
        %scan3A_84 = arith.addi %scan3A_72, %scan3A_83 : i32
        %mul3A_85 = arith.constant 16 : i32
        %mul3A_86 = arith.muli %scan3A_84, %mul3A_85 : i32
        %get3A_87 = arith.index_cast %mul3A_86 : i32 to index
        %get3A_88 = tpu.vector_load %arg5[%get3A_87] {strides = array<i32>} : memref<8192xf32, #tpu.memory_space<vmem>>, vector<16xf32>,
        %gt3A_89 = arith.cmpf ogt, %get3A_88, %broadcast_in_dim3A_3 : vector<16xf32>
        %masked_cumsum3A_90 = tpu.scan <sum>, %broadcast_in_dim3A_55 masked %gt3A_89 : vector<16xi32>, vector<16xi1> -> vector<16xi32>
        %add3A_91 = arith.addi %add3A_82, %masked_cumsum3A_90 : vector<16xi32>
        %sub3A_92 = arith.subi %add3A_91, %broadcast_in_dim3A_55 : vector<16xi32>
        %mul3A_93 = arith.constant 16 : i32
        %mul3A_94 = arith.muli %scan3A_84, %mul3A_93 : i32
        %broadcast_in_dim3A_95 = vector.broadcast %mul3A_94 : i32 to vector<16xi32>
        %add3A_96 = arith.addi %broadcast_in_dim3A_95, %iota3A : vector<16xi32>
        %shift_right_logical3A_97 = arith.shrui %add3A_96, %broadcast_in_dim3A_59 : vector<16xi32>
        %lt3A_98 = arith.cmpi slt, %sub3A_92, %broadcast_in_dim3A_57 : vector<16xi32>
        %and3A_99 = arith.andi %gt3A_89, %lt3A_98 : vector<16xi1>
        tpu.vector_store_idx %arg6[%sub3A_92], %shift_right_logical3A_97 masked %and3A_99 : memref<160xi32, #tpu.memory_space<vmem>>[vector<16xi32>], vector<16xi32>, vector<16xi1>
        tpu.vector_store_idx %arg7[%sub3A_92], %get3A_88 masked %and3A_99 : memref<160xf32, #tpu.memory_space<vmem>>[vector<16xi32>], vector<16xf32>, vector<16xi1>
        %all_reduce_population_count3A_100 = tpu.all_reduce %gt3A_89 {dim = 0 : i64, kind = #tpu.reduction_kind<sum>} : vector<16xi1> -> vector<16xi32>
        %add3A_101 = arith.addi %add3A_82, %all_reduce_population_count3A_100 : vector<16xi32>
        %scan3A_102 = arith.constant 2 : i32
        %scan3A_103 = arith.addi %scan3A_72, %scan3A_102 : i32
        %mul3A_104 = arith.constant 16 : i32
        %mul3A_105 = arith.muli %scan3A_103, %mul3A_104 : i32
        %get3A_106 = arith.index_cast %mul3A_105 : i32 to index
        %get3A_107 = tpu.vector_load %arg5[%get3A_106] {strides = array<i32>} : memref<8192xf32, #tpu.memory_space<vmem>>, vector<16xf32>,
        %gt3A_108 = arith.cmpf ogt, %get3A_107, %broadcast_in_dim3A_3 : vector<16xf32>
        %masked_cumsum3A_109 = tpu.scan <sum>, %broadcast_in_dim3A_55 masked %gt3A_108 : vector<16xi32>, vector<16xi1> -> vector<16xi32>
        %add3A_110 = arith.addi %add3A_101, %masked_cumsum3A_109 : vector<16xi32>
        %sub3A_111 = arith.subi %add3A_110, %broadcast_in_dim3A_55 : vector<16xi32>
        %mul3A_112 = arith.constant 16 : i32
        %mul3A_113 = arith.muli %scan3A_103, %mul3A_112 : i32
        %broadcast_in_dim3A_114 = vector.broadcast %mul3A_113 : i32 to vector<16xi32>
        %add3A_115 = arith.addi %broadcast_in_dim3A_114, %iota3A : vector<16xi32>
        %shift_right_logical3A_116 = arith.shrui %add3A_115, %broadcast_in_dim3A_59 : vector<16xi32>
        %lt3A_117 = arith.cmpi slt, %sub3A_111, %broadcast_in_dim3A_57 : vector<16xi32>
        %and3A_118 = arith.andi %gt3A_108, %lt3A_117 : vector<16xi1>
        tpu.vector_store_idx %arg6[%sub3A_111], %shift_right_logical3A_116 masked %and3A_118 : memref<160xi32, #tpu.memory_space<vmem>>[vector<16xi32>], vector<16xi32>, vector<16xi1>
        tpu.vector_store_idx %arg7[%sub3A_111], %get3A_107 masked %and3A_118 : memref<160xf32, #tpu.memory_space<vmem>>[vector<16xi32>], vector<16xf32>, vector<16xi1>
        %all_reduce_population_count3A_119 = tpu.all_reduce %gt3A_108 {dim = 0 : i64, kind = #tpu.reduction_kind<sum>} : vector<16xi1> -> vector<16xi32>
        %add3A_120 = arith.addi %add3A_101, %all_reduce_population_count3A_119 : vector<16xi32>
        %scan3A_121 = arith.constant 3 : i32
        %scan3A_122 = arith.addi %scan3A_72, %scan3A_121 : i32
        %mul3A_123 = arith.constant 16 : i32
        %mul3A_124 = arith.muli %scan3A_122, %mul3A_123 : i32
        %get3A_125 = arith.index_cast %mul3A_124 : i32 to index
        %get3A_126 = tpu.vector_load %arg5[%get3A_125] {strides = array<i32>} : memref<8192xf32, #tpu.memory_space<vmem>>, vector<16xf32>,
        %gt3A_127 = arith.cmpf ogt, %get3A_126, %broadcast_in_dim3A_3 : vector<16xf32>
        %masked_cumsum3A_128 = tpu.scan <sum>, %broadcast_in_dim3A_55 masked %gt3A_127 : vector<16xi32>, vector<16xi1> -> vector<16xi32>
        %add3A_129 = arith.addi %add3A_120, %masked_cumsum3A_128 : vector<16xi32>
        %sub3A_130 = arith.subi %add3A_129, %broadcast_in_dim3A_55 : vector<16xi32>
        %mul3A_131 = arith.constant 16 : i32
        %mul3A_132 = arith.muli %scan3A_122, %mul3A_131 : i32
        %broadcast_in_dim3A_133 = vector.broadcast %mul3A_132 : i32 to vector<16xi32>
        %add3A_134 = arith.addi %broadcast_in_dim3A_133, %iota3A : vector<16xi32>
        %shift_right_logical3A_135 = arith.shrui %add3A_134, %broadcast_in_dim3A_59 : vector<16xi32>
        %lt3A_136 = arith.cmpi slt, %sub3A_130, %broadcast_in_dim3A_57 : vector<16xi32>
        %and3A_137 = arith.andi %gt3A_127, %lt3A_136 : vector<16xi1>
        tpu.vector_store_idx %arg6[%sub3A_130], %shift_right_logical3A_135 masked %and3A_137 : memref<160xi32, #tpu.memory_space<vmem>>[vector<16xi32>], vector<16xi32>, vector<16xi1>
        tpu.vector_store_idx %arg7[%sub3A_130], %get3A_126 masked %and3A_137 : memref<160xf32, #tpu.memory_space<vmem>>[vector<16xi32>], vector<16xf32>, vector<16xi1>
        %all_reduce_population_count3A_138 = tpu.all_reduce %gt3A_127 {dim = 0 : i64, kind = #tpu.reduction_kind<sum>} : vector<16xi1> -> vector<16xi32>
        %add3A_139 = arith.addi %add3A_120, %all_reduce_population_count3A_138 : vector<16xi32>
        %scan3A_140 = arith.constant 4 : i32
        %scan3A_141 = arith.addi %scan3A_72, %scan3A_140 : i32
        %mul3A_142 = arith.constant 16 : i32
        %mul3A_143 = arith.muli %scan3A_141, %mul3A_142 : i32
        %get3A_144 = arith.index_cast %mul3A_143 : i32 to index
        %get3A_145 = tpu.vector_load %arg5[%get3A_144] {strides = array<i32>} : memref<8192xf32, #tpu.memory_space<vmem>>, vector<16xf32>,
        %gt3A_146 = arith.cmpf ogt, %get3A_145, %broadcast_in_dim3A_3 : vector<16xf32>
        %masked_cumsum3A_147 = tpu.scan <sum>, %broadcast_in_dim3A_55 masked %gt3A_146 : vector<16xi32>, vector<16xi1> -> vector<16xi32>
        %add3A_148 = arith.addi %add3A_139, %masked_cumsum3A_147 : vector<16xi32>
        %sub3A_149 = arith.subi %add3A_148, %broadcast_in_dim3A_55 : vector<16xi32>
        %mul3A_150 = arith.constant 16 : i32
        %mul3A_151 = arith.muli %scan3A_141, %mul3A_150 : i32
        %broadcast_in_dim3A_152 = vector.broadcast %mul3A_151 : i32 to vector<16xi32>
        %add3A_153 = arith.addi %broadcast_in_dim3A_152, %iota3A : vector<16xi32>
        %shift_right_logical3A_154 = arith.shrui %add3A_153, %broadcast_in_dim3A_59 : vector<16xi32>
        %lt3A_155 = arith.cmpi slt, %sub3A_149, %broadcast_in_dim3A_57 : vector<16xi32>
        %and3A_156 = arith.andi %gt3A_146, %lt3A_155 : vector<16xi1>
        tpu.vector_store_idx %arg6[%sub3A_149], %shift_right_logical3A_154 masked %and3A_156 : memref<160xi32, #tpu.memory_space<vmem>>[vector<16xi32>], vector<16xi32>, vector<16xi1>
        tpu.vector_store_idx %arg7[%sub3A_149], %get3A_145 masked %and3A_156 : memref<160xf32, #tpu.memory_space<vmem>>[vector<16xi32>], vector<16xf32>, vector<16xi1>
        %all_reduce_population_count3A_157 = tpu.all_reduce %gt3A_146 {dim = 0 : i64, kind = #tpu.reduction_kind<sum>} : vector<16xi1> -> vector<16xi32>
        %add3A_158 = arith.addi %add3A_139, %all_reduce_population_count3A_157 : vector<16xi32>
        %scan3A_159 = arith.constant 5 : i32
        %scan3A_160 = arith.addi %scan3A_72, %scan3A_159 : i32
        %mul3A_161 = arith.constant 16 : i32
        %mul3A_162 = arith.muli %scan3A_160, %mul3A_161 : i32
        %get3A_163 = arith.index_cast %mul3A_162 : i32 to index
        %get3A_164 = tpu.vector_load %arg5[%get3A_163] {strides = array<i32>} : memref<8192xf32, #tpu.memory_space<vmem>>, vector<16xf32>,
        %gt3A_165 = arith.cmpf ogt, %get3A_164, %broadcast_in_dim3A_3 : vector<16xf32>
        %masked_cumsum3A_166 = tpu.scan <sum>, %broadcast_in_dim3A_55 masked %gt3A_165 : vector<16xi32>, vector<16xi1> -> vector<16xi32>
        %add3A_167 = arith.addi %add3A_158, %masked_cumsum3A_166 : vector<16xi32>
        %sub3A_168 = arith.subi %add3A_167, %broadcast_in_dim3A_55 : vector<16xi32>
        %mul3A_169 = arith.constant 16 : i32
        %mul3A_170 = arith.muli %scan3A_160, %mul3A_169 : i32
        %broadcast_in_dim3A_171 = vector.broadcast %mul3A_170 : i32 to vector<16xi32>
        %add3A_172 = arith.addi %broadcast_in_dim3A_171, %iota3A : vector<16xi32>
        %shift_right_logical3A_173 = arith.shrui %add3A_172, %broadcast_in_dim3A_59 : vector<16xi32>
        %lt3A_174 = arith.cmpi slt, %sub3A_168, %broadcast_in_dim3A_57 : vector<16xi32>
        %and3A_175 = arith.andi %gt3A_165, %lt3A_174 : vector<16xi1>
        tpu.vector_store_idx %arg6[%sub3A_168], %shift_right_logical3A_173 masked %and3A_175 : memref<160xi32, #tpu.memory_space<vmem>>[vector<16xi32>], vector<16xi32>, vector<16xi1>
        tpu.vector_store_idx %arg7[%sub3A_168], %get3A_164 masked %and3A_175 : memref<160xf32, #tpu.memory_space<vmem>>[vector<16xi32>], vector<16xf32>, vector<16xi1>
        %all_reduce_population_count3A_176 = tpu.all_reduce %gt3A_165 {dim = 0 : i64, kind = #tpu.reduction_kind<sum>} : vector<16xi1> -> vector<16xi32>
        %add3A_177 = arith.addi %add3A_158, %all_reduce_population_count3A_176 : vector<16xi32>
        %scan3A_178 = arith.constant 6 : i32
        %scan3A_179 = arith.addi %scan3A_72, %scan3A_178 : i32
        %mul3A_180 = arith.constant 16 : i32
        %mul3A_181 = arith.muli %scan3A_179, %mul3A_180 : i32
        %get3A_182 = arith.index_cast %mul3A_181 : i32 to index
        %get3A_183 = tpu.vector_load %arg5[%get3A_182] {strides = array<i32>} : memref<8192xf32, #tpu.memory_space<vmem>>, vector<16xf32>,
        %gt3A_184 = arith.cmpf ogt, %get3A_183, %broadcast_in_dim3A_3 : vector<16xf32>
        %masked_cumsum3A_185 = tpu.scan <sum>, %broadcast_in_dim3A_55 masked %gt3A_184 : vector<16xi32>, vector<16xi1> -> vector<16xi32>
        %add3A_186 = arith.addi %add3A_177, %masked_cumsum3A_185 : vector<16xi32>
        %sub3A_187 = arith.subi %add3A_186, %broadcast_in_dim3A_55 : vector<16xi32>
        %mul3A_188 = arith.constant 16 : i32
        %mul3A_189 = arith.muli %scan3A_179, %mul3A_188 : i32
        %broadcast_in_dim3A_190 = vector.broadcast %mul3A_189 : i32 to vector<16xi32>
        %add3A_191 = arith.addi %broadcast_in_dim3A_190, %iota3A : vector<16xi32>
        %shift_right_logical3A_192 = arith.shrui %add3A_191, %broadcast_in_dim3A_59 : vector<16xi32>
        %lt3A_193 = arith.cmpi slt, %sub3A_187, %broadcast_in_dim3A_57 : vector<16xi32>
        %and3A_194 = arith.andi %gt3A_184, %lt3A_193 : vector<16xi1>
        tpu.vector_store_idx %arg6[%sub3A_187], %shift_right_logical3A_192 masked %and3A_194 : memref<160xi32, #tpu.memory_space<vmem>>[vector<16xi32>], vector<16xi32>, vector<16xi1>
        tpu.vector_store_idx %arg7[%sub3A_187], %get3A_183 masked %and3A_194 : memref<160xf32, #tpu.memory_space<vmem>>[vector<16xi32>], vector<16xf32>, vector<16xi1>
        %all_reduce_population_count3A_195 = tpu.all_reduce %gt3A_184 {dim = 0 : i64, kind = #tpu.reduction_kind<sum>} : vector<16xi1> -> vector<16xi32>
        %add3A_196 = arith.addi %add3A_177, %all_reduce_population_count3A_195 : vector<16xi32>
        %scan3A_197 = arith.constant 7 : i32
        %scan3A_198 = arith.addi %scan3A_72, %scan3A_197 : i32
        %mul3A_199 = arith.constant 16 : i32
        %mul3A_200 = arith.muli %scan3A_198, %mul3A_199 : i32
        %get3A_201 = arith.index_cast %mul3A_200 : i32 to index
        %get3A_202 = tpu.vector_load %arg5[%get3A_201] {strides = array<i32>} : memref<8192xf32, #tpu.memory_space<vmem>>, vector<16xf32>,
        %gt3A_203 = arith.cmpf ogt, %get3A_202, %broadcast_in_dim3A_3 : vector<16xf32>
        %masked_cumsum3A_204 = tpu.scan <sum>, %broadcast_in_dim3A_55 masked %gt3A_203 : vector<16xi32>, vector<16xi1> -> vector<16xi32>
        %add3A_205 = arith.addi %add3A_196, %masked_cumsum3A_204 : vector<16xi32>
        %sub3A_206 = arith.subi %add3A_205, %broadcast_in_dim3A_55 : vector<16xi32>
        %mul3A_207 = arith.constant 16 : i32
        %mul3A_208 = arith.muli %scan3A_198, %mul3A_207 : i32
        %broadcast_in_dim3A_209 = vector.broadcast %mul3A_208 : i32 to vector<16xi32>
        %add3A_210 = arith.addi %broadcast_in_dim3A_209, %iota3A : vector<16xi32>
        %shift_right_logical3A_211 = arith.shrui %add3A_210, %broadcast_in_dim3A_59 : vector<16xi32>
        %lt3A_212 = arith.cmpi slt, %sub3A_206, %broadcast_in_dim3A_57 : vector<16xi32>
        %and3A_213 = arith.andi %gt3A_203, %lt3A_212 : vector<16xi1>
        tpu.vector_store_idx %arg6[%sub3A_206], %shift_right_logical3A_211 masked %and3A_213 : memref<160xi32, #tpu.memory_space<vmem>>[vector<16xi32>], vector<16xi32>, vector<16xi1>
        tpu.vector_store_idx %arg7[%sub3A_206], %get3A_202 masked %and3A_213 : memref<160xf32, #tpu.memory_space<vmem>>[vector<16xi32>], vector<16xf32>, vector<16xi1>
        %all_reduce_population_count3A_214 = tpu.all_reduce %gt3A_203 {dim = 0 : i64, kind = #tpu.reduction_kind<sum>} : vector<16xi1> -> vector<16xi32>
        %add3A_215 = arith.addi %add3A_196, %all_reduce_population_count3A_214 : vector<16xi32>
        scf.yield %add3A_215 : vector<16xi32>
      }
      %scan3A_67 = arith.constant 512 : i32
      %mul3A_68 = arith.constant 128 : i32
      %mul3A_69 = arith.muli %add3A_12, %mul3A_68 : i32
      "tpu.region"() ({
        %run_scoped3A = tpu.sem_alloc : memref<!tpu.dma_semaphore, #tpu.memory_space<semaphore_mem>>
        %dma_start3A = arith.constant 0 : i32
        %dma_start3A_72 = tpu.memref_slice %arg6[%dma_start3A] : memref<160xi32, #tpu.memory_space<vmem>> -> memref<128xi32, #tpu.memory_space<vmem>>
        %dma_start3A_73 = tpu.memref_slice %arg3[%mul3A_69] : memref<131072xi32, #tpu.memory_space<hbm>> -> memref<128xi32, #tpu.memory_space<hbm>>
        %dma_start3A_74 = tpu.memref_slice %arg3[%mul3A_69] : memref<131072xi32, #tpu.memory_space<hbm>> -> memref<128xi32, #tpu.memory_space<hbm>>
        %dma_start3A_75 = arith.constant 0 : i32
        %dma_start3A_76 = tpu.memref_slice %arg6[%dma_start3A_75] : memref<160xi32, #tpu.memory_space<vmem>> -> memref<128xi32, #tpu.memory_space<vmem>>
        tpu.enqueue_dma source(%dma_start3A_76 : memref<128xi32, #tpu.memory_space<vmem>>) target(%dma_start3A_74 : memref<128xi32, #tpu.memory_space<hbm>>) target_semaphore(%run_scoped3A : memref<!tpu.dma_semaphore, #tpu.memory_space<semaphore_mem>>)
        %dma_wait3A = arith.constant 0 : i32
        %dma_wait3A_77 = tpu.memref_slice %arg6[%dma_wait3A] : memref<160xi32, #tpu.memory_space<vmem>> -> memref<128xi32, #tpu.memory_space<vmem>>
        %dma_wait3A_78 = tpu.memref_slice %arg3[%mul3A_69] : memref<131072xi32, #tpu.memory_space<hbm>> -> memref<128xi32, #tpu.memory_space<hbm>>
        %dma_wait3A_79 = tpu.memref_slice %arg3[%mul3A_69] : memref<131072xi32, #tpu.memory_space<hbm>> -> memref<128xi32, #tpu.memory_space<hbm>>
        %dma_wait3A_80 = arith.constant 0 : i32
        %dma_wait3A_81 = tpu.memref_slice %arg6[%dma_wait3A_80] : memref<160xi32, #tpu.memory_space<vmem>> -> memref<128xi32, #tpu.memory_space<vmem>>
        tpu.wait_dma2 semaphore(%run_scoped3A : memref<!tpu.dma_semaphore, #tpu.memory_space<semaphore_mem>>) src(%dma_wait3A_81 : memref<128xi32, #tpu.memory_space<vmem>>) dst(%dma_wait3A_79 : memref<128xi32, #tpu.memory_space<hbm>>)
        tpu.yield
      }) : () -> ()
      %mul3A_70 = arith.constant 128 : i32
      %mul3A_71 = arith.muli %add3A_12, %mul3A_70 : i32
      "tpu.region"() ({
        %run_scoped3A = tpu.sem_alloc : memref<!tpu.dma_semaphore, #tpu.memory_space<semaphore_mem>>
        %dma_start3A = arith.constant 0 : i32
        %dma_start3A_72 = tpu.memref_slice %arg7[%dma_start3A] : memref<160xf32, #tpu.memory_space<vmem>> -> memref<128xf32, #tpu.memory_space<vmem>>
        %dma_start3A_73 = tpu.memref_slice %arg4[%mul3A_71] : memref<131072xf32, #tpu.memory_space<hbm>> -> memref<128xf32, #tpu.memory_space<hbm>>
        %dma_start3A_74 = tpu.memref_slice %arg4[%mul3A_71] : memref<131072xf32, #tpu.memory_space<hbm>> -> memref<128xf32, #tpu.memory_space<hbm>>
        %dma_start3A_75 = arith.constant 0 : i32
        %dma_start3A_76 = tpu.memref_slice %arg7[%dma_start3A_75] : memref<160xf32, #tpu.memory_space<vmem>> -> memref<128xf32, #tpu.memory_space<vmem>>
        tpu.enqueue_dma source(%dma_start3A_76 : memref<128xf32, #tpu.memory_space<vmem>>) target(%dma_start3A_74 : memref<128xf32, #tpu.memory_space<hbm>>) target_semaphore(%run_scoped3A : memref<!tpu.dma_semaphore, #tpu.memory_space<semaphore_mem>>)
        %dma_wait3A = arith.constant 0 : i32
        %dma_wait3A_77 = tpu.memref_slice %arg7[%dma_wait3A] : memref<160xf32, #tpu.memory_space<vmem>> -> memref<128xf32, #tpu.memory_space<vmem>>
        %dma_wait3A_78 = tpu.memref_slice %arg4[%mul3A_71] : memref<131072xf32, #tpu.memory_space<hbm>> -> memref<128xf32, #tpu.memory_space<hbm>>
        %dma_wait3A_79 = tpu.memref_slice %arg4[%mul3A_71] : memref<131072xf32, #tpu.memory_space<hbm>> -> memref<128xf32, #tpu.memory_space<hbm>>
        %dma_wait3A_80 = arith.constant 0 : i32
        %dma_wait3A_81 = tpu.memref_slice %arg7[%dma_wait3A_80] : memref<160xf32, #tpu.memory_space<vmem>> -> memref<128xf32, #tpu.memory_space<vmem>>
        tpu.wait_dma2 semaphore(%run_scoped3A : memref<!tpu.dma_semaphore, #tpu.memory_space<semaphore_mem>>) src(%dma_wait3A_81 : memref<128xf32, #tpu.memory_space<vmem>>) dst(%dma_wait3A_79 : memref<128xf32, #tpu.memory_space<hbm>>)
        tpu.yield
      }) : () -> ()
    }
    %scan3A_8 = arith.constant 32 : i32
    return
  }
}

module attributes {stable_mosaic.version = 14 : i64} {
  func.func @_graph_body(%arg0: i32, %arg1: memref<1x64x8xf32, #tpu.memory_space<vmem>>, %arg2: memref<1x8x8xf32, #tpu.memory_space<vmem>>, %arg3: memref<1x1x1xf32, #tpu.memory_space<vmem>>, %arg4: memref<128x8xf32, #tpu.memory_space<vmem>>, %arg5: memref<1x4096x128xf32, #tpu.memory_space<vmem>>, %arg6: memref<1x1x1xf32, #tpu.memory_space<vmem>>) attributes {dimension_semantics = [#tpu.dimension_semantics<arbitrary>], iteration_bounds = array<i64: 16>, scalar_prefetch = 0 : i64, scratch_operands = 0 : i64, tpu.core_type = #tpu.core_type<tc>, window_params = [{transform_indices = @transform_0, window_bounds = array<i64: 1, 64, 8>}, {transform_indices = @transform_1, window_bounds = array<i64: 1, 8, 8>}, {transform_indices = @transform_2, window_bounds = array<i64: 1, 1, 1>}, {pipeline_mode = #tpu.pipeline_mode<synchronous>, transform_indices = @transform_3, window_bounds = array<i64: 128, 8>}, {transform_indices = @transform_4, window_bounds = array<i64: 1, 4096, 128>}, {transform_indices = @transform_5, window_bounds = array<i64: 1, 1, 1>}]} {
    %get3A = arith.constant 0 : index
    %get3A_0 = arith.constant 0 : index
    %get3A_1 = arith.constant 0 : index
    %get3A_2 = vector.load %arg1[%get3A, %get3A_0, %get3A_1] : memref<1x64x8xf32, #tpu.memory_space<vmem>>, vector<1x64x8xf32>
    %get3A_3 = vector.shape_cast %get3A_2 : vector<1x64x8xf32> to vector<64x8xf32>
    %get3A_4 = arith.constant 0 : index
    %get3A_5 = arith.constant 0 : index
    %get3A_6 = arith.constant 0 : index
    %get3A_7 = vector.load %arg2[%get3A_4, %get3A_5, %get3A_6] : memref<1x8x8xf32, #tpu.memory_space<vmem>>, vector<1x8x8xf32>
    %get3A_8 = vector.shape_cast %get3A_7 : vector<1x8x8xf32> to vector<8x8xf32>
    %slice3A = vector.extract_strided_slice %get3A_8 {offsets = [0, 0], sizes = [1, 1], strides = [1, 1]} : vector<8x8xf32> to vector<1x1xf32>
    %squeeze3A = vector.extract %slice3A[0, 0] : f32 from vector<1x1xf32>
    %slice3A_9 = vector.extract_strided_slice %get3A_8 {offsets = [0, 1], sizes = [1, 1], strides = [1, 1]} : vector<8x8xf32> to vector<1x1xf32>
    %squeeze3A_10 = vector.extract %slice3A_9[0, 0] : f32 from vector<1x1xf32>
    %slice3A_11 = vector.extract_strided_slice %get3A_8 {offsets = [0, 2], sizes = [1, 1], strides = [1, 1]} : vector<8x8xf32> to vector<1x1xf32>
    %squeeze3A_12 = vector.extract %slice3A_11[0, 0] : f32 from vector<1x1xf32>
    %slice3A_13 = vector.extract_strided_slice %get3A_8 {offsets = [1, 0], sizes = [1, 1], strides = [1, 1]} : vector<8x8xf32> to vector<1x1xf32>
    %squeeze3A_14 = vector.extract %slice3A_13[0, 0] : f32 from vector<1x1xf32>
    %slice3A_15 = vector.extract_strided_slice %get3A_8 {offsets = [1, 1], sizes = [1, 1], strides = [1, 1]} : vector<8x8xf32> to vector<1x1xf32>
    %squeeze3A_16 = vector.extract %slice3A_15[0, 0] : f32 from vector<1x1xf32>
    %slice3A_17 = vector.extract_strided_slice %get3A_8 {offsets = [1, 2], sizes = [1, 1], strides = [1, 1]} : vector<8x8xf32> to vector<1x1xf32>
    %squeeze3A_18 = vector.extract %slice3A_17[0, 0] : f32 from vector<1x1xf32>
    %slice3A_19 = vector.extract_strided_slice %get3A_8 {offsets = [2, 0], sizes = [1, 1], strides = [1, 1]} : vector<8x8xf32> to vector<1x1xf32>
    %squeeze3A_20 = vector.extract %slice3A_19[0, 0] : f32 from vector<1x1xf32>
    %slice3A_21 = vector.extract_strided_slice %get3A_8 {offsets = [2, 1], sizes = [1, 1], strides = [1, 1]} : vector<8x8xf32> to vector<1x1xf32>
    %squeeze3A_22 = vector.extract %slice3A_21[0, 0] : f32 from vector<1x1xf32>
    %slice3A_23 = vector.extract_strided_slice %get3A_8 {offsets = [2, 2], sizes = [1, 1], strides = [1, 1]} : vector<8x8xf32> to vector<1x1xf32>
    %squeeze3A_24 = vector.extract %slice3A_23[0, 0] : f32 from vector<1x1xf32>
    %mul3A = arith.mulf %squeeze3A_16, %squeeze3A_24 : f32
    %mul3A_25 = arith.mulf %squeeze3A_18, %squeeze3A_22 : f32
    %sub3A = arith.subf %mul3A, %mul3A_25 : f32
    %mul3A_26 = arith.mulf %squeeze3A, %sub3A : f32
    %mul3A_27 = arith.mulf %squeeze3A_18, %squeeze3A_20 : f32
    %mul3A_28 = arith.mulf %squeeze3A_14, %squeeze3A_24 : f32
    %sub3A_29 = arith.subf %mul3A_27, %mul3A_28 : f32
    %mul3A_30 = arith.mulf %squeeze3A_10, %sub3A_29 : f32
    %add3A = arith.addf %mul3A_26, %mul3A_30 : f32
    %mul3A_31 = arith.mulf %squeeze3A_14, %squeeze3A_22 : f32
    %mul3A_32 = arith.mulf %squeeze3A_16, %squeeze3A_20 : f32
    %sub3A_33 = arith.subf %mul3A_31, %mul3A_32 : f32
    %mul3A_34 = arith.mulf %squeeze3A_12, %sub3A_33 : f32
    %add3A_35 = arith.addf %add3A, %mul3A_34 : f32
    %get3A_36 = arith.constant 0 : index
    %get3A_37 = arith.constant 0 : index
    %get3A_38 = arith.constant 0 : index
    %get3A_39 = vector.load %arg3[%get3A_36, %get3A_37, %get3A_38] : memref<1x1x1xf32, #tpu.memory_space<vmem>>, vector<1x1x1xf32>
    %get3A_40 = vector.extract %get3A_39[0, 0, 0] : f32 from vector<1x1x1xf32>
    %abs3A = math.absf %add3A_35 : f32
    %div3A = arith.divf %abs3A, %get3A_40 : f32
    %log3A = math.log %div3A : f32
    %div3A_41 = arith.constant 3.000000e+00 : f32
    %div3A_42 = arith.divf %log3A, %div3A_41 : f32
    %exp3A = math.exp %div3A_42 : f32
    %mul3A_43 = arith.constant 2.000000e+00 : f32
    %mul3A_44 = arith.mulf %mul3A_43, %exp3A : f32
    %mul3A_45 = arith.mulf %exp3A, %exp3A : f32
    %div3A_46 = arith.divf %div3A, %mul3A_45 : f32
    %add3A_47 = arith.addf %mul3A_44, %div3A_46 : f32
    %div3A_48 = arith.constant 3.000000e+00 : f32
    %div3A_49 = arith.divf %add3A_47, %div3A_48 : f32
    %mul3A_50 = arith.constant 2.000000e+00 : f32
    %mul3A_51 = arith.mulf %mul3A_50, %div3A_49 : f32
    %mul3A_52 = arith.mulf %div3A_49, %div3A_49 : f32
    %div3A_53 = arith.divf %div3A, %mul3A_52 : f32
    %add3A_54 = arith.addf %mul3A_51, %div3A_53 : f32
    %div3A_55 = arith.constant 3.000000e+00 : f32
    %div3A_56 = arith.divf %add3A_54, %div3A_55 : f32
    %mul3A_57 = arith.constant 2.000000e+00 : f32
    %mul3A_58 = arith.mulf %mul3A_57, %div3A_56 : f32
    %reshape3A = vector.broadcast %mul3A_58 : f32 to vector<1x1xf32>
    %swap3A = arith.constant 0 : index
    %swap3A_59 = arith.constant 0 : index
    %swap3A_60 = arith.constant 0 : index
    %swap3A_61 = vector.load %arg6[%swap3A, %swap3A_59, %swap3A_60] : memref<1x1x1xf32, #tpu.memory_space<vmem>>, vector<1x1x1xf32>
    %swap3A_62 = vector.shape_cast %swap3A_61 : vector<1x1x1xf32> to vector<1x1xf32>
    %swap3A_63 = vector.shape_cast %reshape3A : vector<1x1xf32> to vector<1x1x1xf32>
    tpu.vector_store %arg6[%swap3A, %swap3A_59, %swap3A_60], %swap3A_63 {strides = array<i32>} : memref<1x1x1xf32, #tpu.memory_space<vmem>>, vector<1x1x1xf32>,
    %iota3A = tpu.iota {dimensions = array<i32: 0>} : vector<4096x64xi32>
    %jit3A = arith.constant 64 : i32
    %div3A_64 = vector.broadcast %jit3A : i32 to vector<4096x64xi32>
    %div3A_65 = arith.divsi %iota3A, %div3A_64 : vector<4096x64xi32>
    %sign3A = arith.constant 0 : i32
    %sign3A_66 = vector.broadcast %sign3A : i32 to vector<4096x64xi32>
    %sign3A_67 = arith.cmpi sgt, %iota3A, %sign3A_66 : vector<4096x64xi32>
    %sign3A_68 = arith.extui %sign3A_67 : vector<4096x64xi1> to vector<4096x64xi32>
    %sign3A_69 = arith.constant 0 : i32
    %sign3A_70 = vector.broadcast %sign3A_69 : i32 to vector<4096x64xi32>
    %sign3A_71 = arith.cmpi slt, %iota3A, %sign3A_70 : vector<4096x64xi32>
    %sign3A_72 = arith.extui %sign3A_71 : vector<4096x64xi1> to vector<4096x64xi32>
    %sign3A_73 = arith.subi %sign3A_68, %sign3A_72 : vector<4096x64xi32>
    %sign3A_74 = arith.constant 0 : i32
    %sign3A_75 = arith.cmpi sgt, %jit3A, %sign3A_74 : i32
    %sign3A_76 = arith.extui %sign3A_75 : i1 to i32
    %sign3A_77 = arith.constant 0 : i32
    %sign3A_78 = arith.cmpi slt, %jit3A, %sign3A_77 : i32
    %sign3A_79 = arith.extui %sign3A_78 : i1 to i32
    %sign3A_80 = arith.subi %sign3A_76, %sign3A_79 : i32
    %ne3A = vector.broadcast %sign3A_80 : i32 to vector<4096x64xi32>
    %ne3A_81 = arith.cmpi ne, %sign3A_73, %ne3A : vector<4096x64xi32>
    %rem3A = vector.broadcast %jit3A : i32 to vector<4096x64xi32>
    %rem3A_82 = arith.remsi %iota3A, %rem3A : vector<4096x64xi32>
    %ne3A_83 = arith.constant 0 : i32
    %ne3A_84 = vector.broadcast %ne3A_83 : i32 to vector<4096x64xi32>
    %ne3A_85 = arith.cmpi ne, %rem3A_82, %ne3A_84 : vector<4096x64xi32>
    %and3A = arith.andi %ne3A_81, %ne3A_85 : vector<4096x64xi1>
    %sub3A_86 = arith.constant 1 : i32
    %sub3A_87 = vector.broadcast %sub3A_86 : i32 to vector<4096x64xi32>
    %sub3A_88 = arith.subi %div3A_65, %sub3A_87 : vector<4096x64xi32>
    %select_n3A = arith.select %and3A, %sub3A_88, %div3A_65 : vector<4096x64xi1>, vector<4096x64xi32>
    %iota3A_89 = tpu.iota {dimensions = array<i32: 1>} : vector<4096x64xi32>
    %eq3A = arith.cmpi eq, %select_n3A, %iota3A_89 : vector<4096x64xi32>
    %convert_element_type3A = arith.extui %eq3A : vector<4096x64xi1> to vector<4096x64xi32>
    %convert_element_type3A_90 = arith.sitofp %convert_element_type3A : vector<4096x64xi32> to vector<4096x64xf32>
    %iota3A_91 = tpu.iota {dimensions = array<i32: 0>} : vector<4096x64xi32>
    %jit3A_92 = arith.constant 64 : i32
    %eq3A_93 = arith.constant 0 : i32
    %eq3A_94 = arith.cmpi eq, %jit3A_92, %eq3A_93 : i32
    %jit3A_95 = arith.constant 1 : i32
    %select_n3A_96 = arith.select %eq3A_94, %jit3A_95, %jit3A_92 : i32
    %rem3A_97 = vector.broadcast %select_n3A_96 : i32 to vector<4096x64xi32>
    %rem3A_98 = arith.remsi %iota3A_91, %rem3A_97 : vector<4096x64xi32>
    %ne3A_99 = arith.constant 0 : i32
    %ne3A_100 = vector.broadcast %ne3A_99 : i32 to vector<4096x64xi32>
    %ne3A_101 = arith.cmpi ne, %rem3A_98, %ne3A_100 : vector<4096x64xi32>
    %lt3A = arith.constant 0 : i32
    %lt3A_102 = vector.broadcast %lt3A : i32 to vector<4096x64xi32>
    %lt3A_103 = arith.cmpi slt, %rem3A_98, %lt3A_102 : vector<4096x64xi32>
    %lt3A_104 = arith.constant 0 : i32
    %lt3A_105 = arith.cmpi slt, %select_n3A_96, %lt3A_104 : i32
    %ne3A_106 = vector.broadcast %lt3A_105 : i1 to vector<4096x64xi1>
    %ne3A_107 = vector.broadcast %ne3A_106 : vector<4096x64xi1> to vector<4096x64xi1>
    %ne3A_108 = arith.xori %lt3A_103, %ne3A_107 : vector<4096x64xi1>
    %and3A_109 = arith.andi %ne3A_108, %ne3A_101 : vector<4096x64xi1>
    %add3A_110 = vector.broadcast %select_n3A_96 : i32 to vector<4096x64xi32>
    %add3A_111 = arith.addi %rem3A_98, %add3A_110 : vector<4096x64xi32>
    %select_n3A_112 = arith.select %and3A_109, %add3A_111, %rem3A_98 : vector<4096x64xi1>, vector<4096x64xi32>
    %iota3A_113 = tpu.iota {dimensions = array<i32: 1>} : vector<4096x64xi32>
    %eq3A_114 = arith.cmpi eq, %select_n3A_112, %iota3A_113 : vector<4096x64xi32>
    %convert_element_type3A_115 = arith.extui %eq3A_114 : vector<4096x64xi1> to vector<4096x64xi32>
    %convert_element_type3A_116 = arith.sitofp %convert_element_type3A_115 : vector<4096x64xi32> to vector<4096x64xf32>
    %dot_general3A = arith.constant dense<0.000000e+00> : vector<4096x8xf32>
    %dot_general3A_117 = tpu.matmul %convert_element_type3A_90, %get3A_3, %dot_general3A {dimension_numbers = #tpu.dot_dimension_numbers<[1], [0], [0], [1], [0, 0, 1, 1], [], []>, precision = #tpu.contract_precision<fp32>, transpose_lhs_hint = false} : vector<4096x64xf32>, vector<64x8xf32>, vector<4096x8xf32> -> vector<4096x8xf32>
    %dot_general3A_118 = arith.constant dense<0.000000e+00> : vector<4096x8xf32>
    %dot_general3A_119 = tpu.matmul %convert_element_type3A_116, %get3A_3, %dot_general3A_118 {dimension_numbers = #tpu.dot_dimension_numbers<[1], [0], [0], [1], [0, 0, 1, 1], [], []>, precision = #tpu.contract_precision<fp32>, transpose_lhs_hint = false} : vector<4096x64xf32>, vector<64x8xf32>, vector<4096x8xf32> -> vector<4096x8xf32>
    %get3A_120 = arith.constant 0 : index
    %get3A_121 = arith.constant 0 : index
    %get3A_122 = vector.load %arg4[%get3A_120, %get3A_121] : memref<128x8xf32, #tpu.memory_space<vmem>>, vector<128x8xf32>
    %dot_general3A_123 = arith.constant dense<0.000000e+00> : vector<8x128xf32>
    %dot_general3A_124 = tpu.matmul %get3A_8, %get3A_122, %dot_general3A_123 {dimension_numbers = #tpu.dot_dimension_numbers<[0], [1], [1], [0], [0, 1, 1, 0], [], []>, transpose_lhs_hint = false} : vector<8x8xf32>, vector<128x8xf32>, vector<8x128xf32> -> vector<8x128xf32>
    %slice3A_125 = vector.extract_strided_slice %dot_general3A_117 {offsets = [0, 0], sizes = [4096, 1], strides = [1, 1]} : vector<4096x8xf32> to vector<4096x1xf32>
    %slice3A_126 = vector.extract_strided_slice %dot_general3A_119 {offsets = [0, 0], sizes = [4096, 1], strides = [1, 1]} : vector<4096x8xf32> to vector<4096x1xf32>
    %slice3A_127 = vector.extract_strided_slice %dot_general3A_124 {offsets = [0, 0], sizes = [1, 128], strides = [1, 1]} : vector<8x128xf32> to vector<1x128xf32>
    %add3A_128 = vector.broadcast %slice3A_126 : vector<4096x1xf32> to vector<4096x128xf32>
    %add3A_129 = vector.broadcast %slice3A_127 : vector<1x128xf32> to vector<4096x128xf32>
    %add3A_130 = arith.addf %add3A_128, %add3A_129 : vector<4096x128xf32>
    %sub3A_131 = vector.broadcast %slice3A_125 : vector<4096x1xf32> to vector<4096x128xf32>
    %sub3A_132 = arith.subf %sub3A_131, %add3A_130 : vector<4096x128xf32>
    %slice3A_133 = vector.extract_strided_slice %dot_general3A_117 {offsets = [0, 1], sizes = [4096, 1], strides = [1, 1]} : vector<4096x8xf32> to vector<4096x1xf32>
    %slice3A_134 = vector.extract_strided_slice %dot_general3A_119 {offsets = [0, 1], sizes = [4096, 1], strides = [1, 1]} : vector<4096x8xf32> to vector<4096x1xf32>
    %slice3A_135 = vector.extract_strided_slice %dot_general3A_124 {offsets = [1, 0], sizes = [1, 128], strides = [1, 1]} : vector<8x128xf32> to vector<1x128xf32>
    %add3A_136 = vector.broadcast %slice3A_134 : vector<4096x1xf32> to vector<4096x128xf32>
    %add3A_137 = vector.broadcast %slice3A_135 : vector<1x128xf32> to vector<4096x128xf32>
    %add3A_138 = arith.addf %add3A_136, %add3A_137 : vector<4096x128xf32>
    %sub3A_139 = vector.broadcast %slice3A_133 : vector<4096x1xf32> to vector<4096x128xf32>
    %sub3A_140 = arith.subf %sub3A_139, %add3A_138 : vector<4096x128xf32>
    %slice3A_141 = vector.extract_strided_slice %dot_general3A_117 {offsets = [0, 2], sizes = [4096, 1], strides = [1, 1]} : vector<4096x8xf32> to vector<4096x1xf32>
    %slice3A_142 = vector.extract_strided_slice %dot_general3A_119 {offsets = [0, 2], sizes = [4096, 1], strides = [1, 1]} : vector<4096x8xf32> to vector<4096x1xf32>
    %slice3A_143 = vector.extract_strided_slice %dot_general3A_124 {offsets = [2, 0], sizes = [1, 128], strides = [1, 1]} : vector<8x128xf32> to vector<1x128xf32>
    %add3A_144 = vector.broadcast %slice3A_142 : vector<4096x1xf32> to vector<4096x128xf32>
    %add3A_145 = vector.broadcast %slice3A_143 : vector<1x128xf32> to vector<4096x128xf32>
    %add3A_146 = arith.addf %add3A_144, %add3A_145 : vector<4096x128xf32>
    %sub3A_147 = vector.broadcast %slice3A_141 : vector<4096x1xf32> to vector<4096x128xf32>
    %sub3A_148 = arith.subf %sub3A_147, %add3A_146 : vector<4096x128xf32>
    %mul3A_149 = arith.mulf %sub3A_132, %sub3A_132 : vector<4096x128xf32>
    %mul3A_150 = arith.mulf %sub3A_140, %sub3A_140 : vector<4096x128xf32>
    %add3A_151 = arith.addf %mul3A_149, %mul3A_150 : vector<4096x128xf32>
    %mul3A_152 = arith.mulf %sub3A_148, %sub3A_148 : vector<4096x128xf32>
    %add3A_153 = arith.addf %add3A_151, %mul3A_152 : vector<4096x128xf32>
    %iota3A_154 = tpu.iota {dimensions = array<i32: 1>} : vector<4096x128xi32>
    %mul3A_155 = arith.mulf %mul3A_58, %mul3A_58 : f32
    %le3A = vector.broadcast %mul3A_155 : f32 to vector<4096x128xf32>
    %le3A_156 = arith.cmpf ole, %add3A_153, %le3A : vector<4096x128xf32>
    %gt3A = arith.constant 9.99999974E-5 : f32
    %gt3A_157 = vector.broadcast %gt3A : f32 to vector<4096x128xf32>
    %gt3A_158 = arith.cmpf ogt, %add3A_153, %gt3A_157 : vector<4096x128xf32>
    %and3A_159 = arith.andi %le3A_156, %gt3A_158 : vector<4096x128xi1>
    %lt3A_160 = arith.constant 125 : i32
    %lt3A_161 = vector.broadcast %lt3A_160 : i32 to vector<4096x128xi32>
    %lt3A_162 = arith.cmpi slt, %iota3A_154, %lt3A_161 : vector<4096x128xi32>
    %and3A_163 = arith.andi %and3A_159, %lt3A_162 : vector<4096x128xi1>
    %jit3A_164 = arith.constant 0.000000e+00 : f32
    %broadcast_in_dim3A = vector.broadcast %jit3A_164 : f32 to vector<4096x128xf32>
    %select_n3A_165 = arith.select %and3A_163, %add3A_153, %broadcast_in_dim3A : vector<4096x128xi1>, vector<4096x128xf32>
    %swap3A_166 = arith.constant 0 : index
    %swap3A_167 = arith.constant 0 : index
    %swap3A_168 = arith.constant 0 : index
    %swap3A_169 = vector.load %arg5[%swap3A_166, %swap3A_167, %swap3A_168] : memref<1x4096x128xf32, #tpu.memory_space<vmem>>, vector<1x4096x128xf32>
    %swap3A_170 = vector.shape_cast %swap3A_169 : vector<1x4096x128xf32> to vector<4096x128xf32>
    %swap3A_171 = vector.shape_cast %select_n3A_165 : vector<4096x128xf32> to vector<1x4096x128xf32>
    tpu.vector_store %arg5[%swap3A_166, %swap3A_167, %swap3A_168], %swap3A_171 {strides = array<i32>} : memref<1x4096x128xf32, #tpu.memory_space<vmem>>, vector<1x4096x128xf32>,
    return
  }
  func.func @transform_0(%arg0: i32) -> (i32, i32, i32) {
    %c0_i32 = arith.constant 0 : i32
    %c0_i32_0 = arith.constant 0 : i32
    %c0_i32_1 = arith.constant 0 : i32
    return %arg0, %c0_i32, %c0_i32_0 : i32, i32, i32
  }
  func.func @transform_1(%arg0: i32) -> (i32, i32, i32) {
    %c0_i32 = arith.constant 0 : i32
    %c0_i32_0 = arith.constant 0 : i32
    %c0_i32_1 = arith.constant 0 : i32
    return %arg0, %c0_i32, %c0_i32_0 : i32, i32, i32
  }
  func.func @transform_2(%arg0: i32) -> (i32, i32, i32) {
    %c0_i32 = arith.constant 0 : i32
    %c0_i32_0 = arith.constant 0 : i32
    %c0_i32_1 = arith.constant 0 : i32
    return %arg0, %c0_i32, %c0_i32_0 : i32, i32, i32
  }
  func.func @transform_3(%arg0: i32) -> (i32, i32) {
    %c0_i32 = arith.constant 0 : i32
    %c0_i32_0 = arith.constant 0 : i32
    %c0_i32_1 = arith.constant 0 : i32
    return %c0_i32, %c0_i32_0 : i32, i32
  }
  func.func @transform_4(%arg0: i32) -> (i32, i32, i32) {
    %c0_i32 = arith.constant 0 : i32
    %c0_i32_0 = arith.constant 0 : i32
    %c0_i32_1 = arith.constant 0 : i32
    return %arg0, %c0_i32, %c0_i32_0 : i32, i32, i32
  }
  func.func @transform_5(%arg0: i32) -> (i32, i32, i32) {
    %c0_i32 = arith.constant 0 : i32
    %c0_i32_0 = arith.constant 0 : i32
    %c0_i32_1 = arith.constant 0 : i32
    return %arg0, %c0_i32, %c0_i32_0 : i32, i32, i32
  }
}

module attributes {stable_mosaic.version = 14 : i64} {
  func.func @_head_body(%arg0: memref<16x128xf32, #tpu.memory_space<vmem>>, %arg1: memref<3x128x128xf32, #tpu.memory_space<vmem>>, %arg2: memref<3x1x128xf32, #tpu.memory_space<vmem>>, %arg3: memref<128x128xf32, #tpu.memory_space<vmem>>, %arg4: memref<1x128xf32, #tpu.memory_space<vmem>>, %arg5: memref<16x128xf32, #tpu.memory_space<vmem>>) attributes {dimension_semantics = [], scalar_prefetch = 0 : i64, scratch_operands = 0 : i64, tpu.core_type = #tpu.core_type<tc>} {
    %get3A = arith.constant 0 : index
    %get3A_0 = arith.constant 0 : index
    %get3A_1 = vector.load %arg0[%get3A, %get3A_0] : memref<16x128xf32, #tpu.memory_space<vmem>>, vector<16x128xf32>
    %get3A_2 = arith.constant 0 : index
    %get3A_3 = arith.constant 0 : index
    %get3A_4 = arith.constant 0 : index
    %get3A_5 = vector.load %arg1[%get3A_2, %get3A_3, %get3A_4] : memref<3x128x128xf32, #tpu.memory_space<vmem>>, vector<1x128x128xf32>
    %get3A_6 = vector.shape_cast %get3A_5 : vector<1x128x128xf32> to vector<128x128xf32>
    %broadcast_in_dim3A = arith.constant 0.0883883461 : f32
    %broadcast_in_dim3A_7 = vector.broadcast %broadcast_in_dim3A : f32 to vector<1x128xf32>
    %dot_general3A = arith.constant dense<0.000000e+00> : vector<1x128xf32>
    %dot_general3A_8 = tpu.matmul %broadcast_in_dim3A_7, %get3A_6, %dot_general3A {dimension_numbers = #tpu.dot_dimension_numbers<[1], [0], [0], [1], [0, 0, 1, 1], [], []>, transpose_lhs_hint = false} : vector<1x128xf32>, vector<128x128xf32>, vector<1x128xf32> -> vector<1x128xf32>
    %mul3A = arith.mulf %dot_general3A_8, %dot_general3A_8 : vector<1x128xf32>
    %reduce_sum3A = vector.shape_cast %mul3A : vector<1x128xf32> to vector<1x1x128xf32>
    %reduce_sum3A_9 = arith.constant dense<0.000000e+00> : vector<1xf32>
    %reduce_sum3A_10 = vector.multi_reduction <add>, %reduce_sum3A, %reduce_sum3A_9 [1, 2] : vector<1x1x128xf32> to vector<1xf32>
    %reduce_sum3A_11 = vector.shape_cast %reduce_sum3A_10 : vector<1xf32> to vector<1x1x1xf32>
    %reduce_sum3A_12 = vector.extract %reduce_sum3A_11[0, 0, 0] : f32 from vector<1x1x1xf32>
    %sqrt3A = math.sqrt %reduce_sum3A_12 : f32
    %add3A = arith.constant 9.99999996E-13 : f32
    %add3A_13 = arith.addf %sqrt3A, %add3A : f32
    %div3A = vector.broadcast %add3A_13 : f32 to vector<1x128xf32>
    %div3A_14 = arith.divf %dot_general3A_8, %div3A : vector<1x128xf32>
    %dot_general3A_15 = arith.constant dense<0.000000e+00> : vector<1x128xf32>
    %dot_general3A_16 = tpu.matmul %div3A_14, %get3A_6, %dot_general3A_15 {dimension_numbers = #tpu.dot_dimension_numbers<[1], [1], [0], [0], [0, 0, 1, 0], [], []>, transpose_lhs_hint = false} : vector<1x128xf32>, vector<128x128xf32>, vector<1x128xf32> -> vector<1x128xf32>
    %mul3A_17 = arith.mulf %dot_general3A_16, %dot_general3A_16 : vector<1x128xf32>
    %reduce_sum3A_18 = vector.shape_cast %mul3A_17 : vector<1x128xf32> to vector<1x1x128xf32>
    %reduce_sum3A_19 = arith.constant dense<0.000000e+00> : vector<1xf32>
    %reduce_sum3A_20 = vector.multi_reduction <add>, %reduce_sum3A_18, %reduce_sum3A_19 [1, 2] : vector<1x1x128xf32> to vector<1xf32>
    %reduce_sum3A_21 = vector.shape_cast %reduce_sum3A_20 : vector<1xf32> to vector<1x1x1xf32>
    %reduce_sum3A_22 = vector.extract %reduce_sum3A_21[0, 0, 0] : f32 from vector<1x1x1xf32>
    %sqrt3A_23 = math.sqrt %reduce_sum3A_22 : f32
    %add3A_24 = arith.constant 9.99999996E-13 : f32
    %add3A_25 = arith.addf %sqrt3A_23, %add3A_24 : f32
    %div3A_26 = vector.broadcast %add3A_25 : f32 to vector<1x128xf32>
    %div3A_27 = arith.divf %dot_general3A_16, %div3A_26 : vector<1x128xf32>
    %dot_general3A_28 = arith.constant dense<0.000000e+00> : vector<1x128xf32>
    %dot_general3A_29 = tpu.matmul %div3A_27, %get3A_6, %dot_general3A_28 {dimension_numbers = #tpu.dot_dimension_numbers<[1], [0], [0], [1], [0, 0, 1, 1], [], []>, transpose_lhs_hint = false} : vector<1x128xf32>, vector<128x128xf32>, vector<1x128xf32> -> vector<1x128xf32>
    %mul3A_30 = arith.mulf %dot_general3A_29, %dot_general3A_29 : vector<1x128xf32>
    %reduce_sum3A_31 = vector.shape_cast %mul3A_30 : vector<1x128xf32> to vector<1x1x128xf32>
    %reduce_sum3A_32 = arith.constant dense<0.000000e+00> : vector<1xf32>
    %reduce_sum3A_33 = vector.multi_reduction <add>, %reduce_sum3A_31, %reduce_sum3A_32 [1, 2] : vector<1x1x128xf32> to vector<1xf32>
    %reduce_sum3A_34 = vector.shape_cast %reduce_sum3A_33 : vector<1xf32> to vector<1x1x1xf32>
    %reduce_sum3A_35 = vector.extract %reduce_sum3A_34[0, 0, 0] : f32 from vector<1x1x1xf32>
    %sqrt3A_36 = math.sqrt %reduce_sum3A_35 : f32
    %add3A_37 = arith.constant 9.99999996E-13 : f32
    %add3A_38 = arith.addf %sqrt3A_36, %add3A_37 : f32
    %div3A_39 = vector.broadcast %add3A_38 : f32 to vector<1x128xf32>
    %div3A_40 = arith.divf %dot_general3A_29, %div3A_39 : vector<1x128xf32>
    %dot_general3A_41 = arith.constant dense<0.000000e+00> : vector<1x128xf32>
    %dot_general3A_42 = tpu.matmul %div3A_40, %get3A_6, %dot_general3A_41 {dimension_numbers = #tpu.dot_dimension_numbers<[1], [1], [0], [0], [0, 0, 1, 0], [], []>, transpose_lhs_hint = false} : vector<1x128xf32>, vector<128x128xf32>, vector<1x128xf32> -> vector<1x128xf32>
    %mul3A_43 = arith.mulf %dot_general3A_42, %dot_general3A_42 : vector<1x128xf32>
    %reduce_sum3A_44 = vector.shape_cast %mul3A_43 : vector<1x128xf32> to vector<1x1x128xf32>
    %reduce_sum3A_45 = arith.constant dense<0.000000e+00> : vector<1xf32>
    %reduce_sum3A_46 = vector.multi_reduction <add>, %reduce_sum3A_44, %reduce_sum3A_45 [1, 2] : vector<1x1x128xf32> to vector<1xf32>
    %reduce_sum3A_47 = vector.shape_cast %reduce_sum3A_46 : vector<1xf32> to vector<1x1x1xf32>
    %reduce_sum3A_48 = vector.extract %reduce_sum3A_47[0, 0, 0] : f32 from vector<1x1x1xf32>
    %sqrt3A_49 = math.sqrt %reduce_sum3A_48 : f32
    %add3A_50 = arith.constant 9.99999996E-13 : f32
    %add3A_51 = arith.addf %sqrt3A_49, %add3A_50 : f32
    %div3A_52 = vector.broadcast %add3A_51 : f32 to vector<1x128xf32>
    %div3A_53 = arith.divf %dot_general3A_42, %div3A_52 : vector<1x128xf32>
    %dot_general3A_54 = arith.constant dense<0.000000e+00> : vector<1x128xf32>
    %dot_general3A_55 = tpu.matmul %div3A_53, %get3A_6, %dot_general3A_54 {dimension_numbers = #tpu.dot_dimension_numbers<[1], [0], [0], [1], [0, 0, 1, 1], [], []>, transpose_lhs_hint = false} : vector<1x128xf32>, vector<128x128xf32>, vector<1x128xf32> -> vector<1x128xf32>
    %mul3A_56 = arith.mulf %dot_general3A_55, %dot_general3A_55 : vector<1x128xf32>
    %reduce_sum3A_57 = vector.shape_cast %mul3A_56 : vector<1x128xf32> to vector<1x1x128xf32>
    %reduce_sum3A_58 = arith.constant dense<0.000000e+00> : vector<1xf32>
    %reduce_sum3A_59 = vector.multi_reduction <add>, %reduce_sum3A_57, %reduce_sum3A_58 [1, 2] : vector<1x1x128xf32> to vector<1xf32>
    %reduce_sum3A_60 = vector.shape_cast %reduce_sum3A_59 : vector<1xf32> to vector<1x1x1xf32>
    %reduce_sum3A_61 = vector.extract %reduce_sum3A_60[0, 0, 0] : f32 from vector<1x1x1xf32>
    %sqrt3A_62 = math.sqrt %reduce_sum3A_61 : f32
    %add3A_63 = arith.constant 9.99999996E-13 : f32
    %add3A_64 = arith.addf %sqrt3A_62, %add3A_63 : f32
    %div3A_65 = vector.broadcast %add3A_64 : f32 to vector<1x128xf32>
    %div3A_66 = arith.divf %dot_general3A_55, %div3A_65 : vector<1x128xf32>
    %dot_general3A_67 = arith.constant dense<0.000000e+00> : vector<1x128xf32>
    %dot_general3A_68 = tpu.matmul %div3A_66, %get3A_6, %dot_general3A_67 {dimension_numbers = #tpu.dot_dimension_numbers<[1], [1], [0], [0], [0, 0, 1, 0], [], []>, transpose_lhs_hint = false} : vector<1x128xf32>, vector<128x128xf32>, vector<1x128xf32> -> vector<1x128xf32>
    %mul3A_69 = arith.mulf %dot_general3A_68, %dot_general3A_68 : vector<1x128xf32>
    %reduce_sum3A_70 = vector.shape_cast %mul3A_69 : vector<1x128xf32> to vector<1x1x128xf32>
    %reduce_sum3A_71 = arith.constant dense<0.000000e+00> : vector<1xf32>
    %reduce_sum3A_72 = vector.multi_reduction <add>, %reduce_sum3A_70, %reduce_sum3A_71 [1, 2] : vector<1x1x128xf32> to vector<1xf32>
    %reduce_sum3A_73 = vector.shape_cast %reduce_sum3A_72 : vector<1xf32> to vector<1x1x1xf32>
    %reduce_sum3A_74 = vector.extract %reduce_sum3A_73[0, 0, 0] : f32 from vector<1x1x1xf32>
    %sqrt3A_75 = math.sqrt %reduce_sum3A_74 : f32
    %add3A_76 = arith.constant 9.99999996E-13 : f32
    %add3A_77 = arith.addf %sqrt3A_75, %add3A_76 : f32
    %div3A_78 = vector.broadcast %add3A_77 : f32 to vector<1x128xf32>
    %div3A_79 = arith.divf %dot_general3A_68, %div3A_78 : vector<1x128xf32>
    %dot_general3A_80 = arith.constant dense<0.000000e+00> : vector<1x128xf32>
    %dot_general3A_81 = tpu.matmul %div3A_79, %get3A_6, %dot_general3A_80 {dimension_numbers = #tpu.dot_dimension_numbers<[1], [0], [0], [1], [0, 0, 1, 1], [], []>, transpose_lhs_hint = false} : vector<1x128xf32>, vector<128x128xf32>, vector<1x128xf32> -> vector<1x128xf32>
    %mul3A_82 = arith.mulf %dot_general3A_81, %div3A_66 : vector<1x128xf32>
    %reduce_sum3A_83 = vector.shape_cast %mul3A_82 : vector<1x128xf32> to vector<1x1x128xf32>
    %reduce_sum3A_84 = arith.constant dense<0.000000e+00> : vector<1xf32>
    %reduce_sum3A_85 = vector.multi_reduction <add>, %reduce_sum3A_83, %reduce_sum3A_84 [1, 2] : vector<1x1x128xf32> to vector<1xf32>
    %reduce_sum3A_86 = vector.shape_cast %reduce_sum3A_85 : vector<1xf32> to vector<1x1x1xf32>
    %reduce_sum3A_87 = vector.extract %reduce_sum3A_86[0, 0, 0] : f32 from vector<1x1x1xf32>
    %div3A_88 = vector.broadcast %reduce_sum3A_87 : f32 to vector<128x128xf32>
    %div3A_89 = arith.divf %get3A_6, %div3A_88 : vector<128x128xf32>
    %dot_general3A_90 = arith.constant dense<0.000000e+00> : vector<16x128xf32>
    %dot_general3A_91 = tpu.matmul %get3A_1, %div3A_89, %dot_general3A_90 {dimension_numbers = #tpu.dot_dimension_numbers<[1], [0], [0], [1], [0, 0, 1, 1], [], []>, transpose_lhs_hint = false} : vector<16x128xf32>, vector<128x128xf32>, vector<16x128xf32> -> vector<16x128xf32>
    %get3A_92 = arith.constant 0 : index
    %get3A_93 = arith.constant 0 : index
    %get3A_94 = arith.constant 0 : index
    %get3A_95 = vector.load %arg2[%get3A_92, %get3A_93, %get3A_94] : memref<3x1x128xf32, #tpu.memory_space<vmem>>, vector<1x1x128xf32>
    %get3A_96 = vector.shape_cast %get3A_95 : vector<1x1x128xf32> to vector<1x128xf32>
    %add3A_97 = vector.broadcast %get3A_96 : vector<1x128xf32> to vector<16x128xf32>
    %add3A_98 = arith.addf %dot_general3A_91, %add3A_97 : vector<16x128xf32>
    %custom_jvp_call3A = arith.constant 0.000000e+00 : f32
    %max3A = vector.broadcast %custom_jvp_call3A : f32 to vector<16x128xf32>
    %max3A_99 = arith.maximumf %add3A_98, %max3A : vector<16x128xf32>
    %sub3A = vector.broadcast %custom_jvp_call3A : f32 to vector<16x128xf32>
    %sub3A_100 = arith.subf %add3A_98, %sub3A : vector<16x128xf32>
    %ne3A = arith.cmpf one, %sub3A_100, %sub3A_100 : vector<16x128xf32>
    %add3A_101 = vector.broadcast %custom_jvp_call3A : f32 to vector<16x128xf32>
    %add3A_102 = arith.addf %add3A_98, %add3A_101 : vector<16x128xf32>
    %abs3A = math.absf %sub3A_100 : vector<16x128xf32>
    %neg3A = arith.constant 0.000000e+00 : f32
    %neg3A_103 = vector.broadcast %neg3A : f32 to vector<16x128xf32>
    %neg3A_104 = arith.subf %neg3A_103, %abs3A : vector<16x128xf32>
    %exp3A = math.exp %neg3A_104 : vector<16x128xf32>
    %log1p3A = math.log1p %exp3A : vector<16x128xf32>
    %add3A_105 = arith.addf %max3A_99, %log1p3A : vector<16x128xf32>
    %select_n3A = arith.select %ne3A, %add3A_102, %add3A_105 : vector<16x128xi1>, vector<16x128xf32>
    %get3A_106 = arith.constant 1 : index
    %get3A_107 = arith.constant 0 : index
    %get3A_108 = arith.constant 0 : index
    %get3A_109 = vector.load %arg1[%get3A_106, %get3A_107, %get3A_108] : memref<3x128x128xf32, #tpu.memory_space<vmem>>, vector<1x128x128xf32>
    %get3A_110 = vector.shape_cast %get3A_109 : vector<1x128x128xf32> to vector<128x128xf32>
    %broadcast_in_dim3A_111 = arith.constant 0.0883883461 : f32
    %broadcast_in_dim3A_112 = vector.broadcast %broadcast_in_dim3A_111 : f32 to vector<1x128xf32>
    %dot_general3A_113 = arith.constant dense<0.000000e+00> : vector<1x128xf32>
    %dot_general3A_114 = tpu.matmul %broadcast_in_dim3A_112, %get3A_110, %dot_general3A_113 {dimension_numbers = #tpu.dot_dimension_numbers<[1], [0], [0], [1], [0, 0, 1, 1], [], []>, transpose_lhs_hint = false} : vector<1x128xf32>, vector<128x128xf32>, vector<1x128xf32> -> vector<1x128xf32>
    %mul3A_115 = arith.mulf %dot_general3A_114, %dot_general3A_114 : vector<1x128xf32>
    %reduce_sum3A_116 = vector.shape_cast %mul3A_115 : vector<1x128xf32> to vector<1x1x128xf32>
    %reduce_sum3A_117 = arith.constant dense<0.000000e+00> : vector<1xf32>
    %reduce_sum3A_118 = vector.multi_reduction <add>, %reduce_sum3A_116, %reduce_sum3A_117 [1, 2] : vector<1x1x128xf32> to vector<1xf32>
    %reduce_sum3A_119 = vector.shape_cast %reduce_sum3A_118 : vector<1xf32> to vector<1x1x1xf32>
    %reduce_sum3A_120 = vector.extract %reduce_sum3A_119[0, 0, 0] : f32 from vector<1x1x1xf32>
    %sqrt3A_121 = math.sqrt %reduce_sum3A_120 : f32
    %add3A_122 = arith.constant 9.99999996E-13 : f32
    %add3A_123 = arith.addf %sqrt3A_121, %add3A_122 : f32
    %div3A_124 = vector.broadcast %add3A_123 : f32 to vector<1x128xf32>
    %div3A_125 = arith.divf %dot_general3A_114, %div3A_124 : vector<1x128xf32>
    %dot_general3A_126 = arith.constant dense<0.000000e+00> : vector<1x128xf32>
    %dot_general3A_127 = tpu.matmul %div3A_125, %get3A_110, %dot_general3A_126 {dimension_numbers = #tpu.dot_dimension_numbers<[1], [1], [0], [0], [0, 0, 1, 0], [], []>, transpose_lhs_hint = false} : vector<1x128xf32>, vector<128x128xf32>, vector<1x128xf32> -> vector<1x128xf32>
    %mul3A_128 = arith.mulf %dot_general3A_127, %dot_general3A_127 : vector<1x128xf32>
    %reduce_sum3A_129 = vector.shape_cast %mul3A_128 : vector<1x128xf32> to vector<1x1x128xf32>
    %reduce_sum3A_130 = arith.constant dense<0.000000e+00> : vector<1xf32>
    %reduce_sum3A_131 = vector.multi_reduction <add>, %reduce_sum3A_129, %reduce_sum3A_130 [1, 2] : vector<1x1x128xf32> to vector<1xf32>
    %reduce_sum3A_132 = vector.shape_cast %reduce_sum3A_131 : vector<1xf32> to vector<1x1x1xf32>
    %reduce_sum3A_133 = vector.extract %reduce_sum3A_132[0, 0, 0] : f32 from vector<1x1x1xf32>
    %sqrt3A_134 = math.sqrt %reduce_sum3A_133 : f32
    %add3A_135 = arith.constant 9.99999996E-13 : f32
    %add3A_136 = arith.addf %sqrt3A_134, %add3A_135 : f32
    %div3A_137 = vector.broadcast %add3A_136 : f32 to vector<1x128xf32>
    %div3A_138 = arith.divf %dot_general3A_127, %div3A_137 : vector<1x128xf32>
    %dot_general3A_139 = arith.constant dense<0.000000e+00> : vector<1x128xf32>
    %dot_general3A_140 = tpu.matmul %div3A_138, %get3A_110, %dot_general3A_139 {dimension_numbers = #tpu.dot_dimension_numbers<[1], [0], [0], [1], [0, 0, 1, 1], [], []>, transpose_lhs_hint = false} : vector<1x128xf32>, vector<128x128xf32>, vector<1x128xf32> -> vector<1x128xf32>
    %mul3A_141 = arith.mulf %dot_general3A_140, %dot_general3A_140 : vector<1x128xf32>
    %reduce_sum3A_142 = vector.shape_cast %mul3A_141 : vector<1x128xf32> to vector<1x1x128xf32>
    %reduce_sum3A_143 = arith.constant dense<0.000000e+00> : vector<1xf32>
    %reduce_sum3A_144 = vector.multi_reduction <add>, %reduce_sum3A_142, %reduce_sum3A_143 [1, 2] : vector<1x1x128xf32> to vector<1xf32>
    %reduce_sum3A_145 = vector.shape_cast %reduce_sum3A_144 : vector<1xf32> to vector<1x1x1xf32>
    %reduce_sum3A_146 = vector.extract %reduce_sum3A_145[0, 0, 0] : f32 from vector<1x1x1xf32>
    %sqrt3A_147 = math.sqrt %reduce_sum3A_146 : f32
    %add3A_148 = arith.constant 9.99999996E-13 : f32
    %add3A_149 = arith.addf %sqrt3A_147, %add3A_148 : f32
    %div3A_150 = vector.broadcast %add3A_149 : f32 to vector<1x128xf32>
    %div3A_151 = arith.divf %dot_general3A_140, %div3A_150 : vector<1x128xf32>
    %dot_general3A_152 = arith.constant dense<0.000000e+00> : vector<1x128xf32>
    %dot_general3A_153 = tpu.matmul %div3A_151, %get3A_110, %dot_general3A_152 {dimension_numbers = #tpu.dot_dimension_numbers<[1], [1], [0], [0], [0, 0, 1, 0], [], []>, transpose_lhs_hint = false} : vector<1x128xf32>, vector<128x128xf32>, vector<1x128xf32> -> vector<1x128xf32>
    %mul3A_154 = arith.mulf %dot_general3A_153, %dot_general3A_153 : vector<1x128xf32>
    %reduce_sum3A_155 = vector.shape_cast %mul3A_154 : vector<1x128xf32> to vector<1x1x128xf32>
    %reduce_sum3A_156 = arith.constant dense<0.000000e+00> : vector<1xf32>
    %reduce_sum3A_157 = vector.multi_reduction <add>, %reduce_sum3A_155, %reduce_sum3A_156 [1, 2] : vector<1x1x128xf32> to vector<1xf32>
    %reduce_sum3A_158 = vector.shape_cast %reduce_sum3A_157 : vector<1xf32> to vector<1x1x1xf32>
    %reduce_sum3A_159 = vector.extract %reduce_sum3A_158[0, 0, 0] : f32 from vector<1x1x1xf32>
    %sqrt3A_160 = math.sqrt %reduce_sum3A_159 : f32
    %add3A_161 = arith.constant 9.99999996E-13 : f32
    %add3A_162 = arith.addf %sqrt3A_160, %add3A_161 : f32
    %div3A_163 = vector.broadcast %add3A_162 : f32 to vector<1x128xf32>
    %div3A_164 = arith.divf %dot_general3A_153, %div3A_163 : vector<1x128xf32>
    %dot_general3A_165 = arith.constant dense<0.000000e+00> : vector<1x128xf32>
    %dot_general3A_166 = tpu.matmul %div3A_164, %get3A_110, %dot_general3A_165 {dimension_numbers = #tpu.dot_dimension_numbers<[1], [0], [0], [1], [0, 0, 1, 1], [], []>, transpose_lhs_hint = false} : vector<1x128xf32>, vector<128x128xf32>, vector<1x128xf32> -> vector<1x128xf32>
    %mul3A_167 = arith.mulf %dot_general3A_166, %dot_general3A_166 : vector<1x128xf32>
    %reduce_sum3A_168 = vector.shape_cast %mul3A_167 : vector<1x128xf32> to vector<1x1x128xf32>
    %reduce_sum3A_169 = arith.constant dense<0.000000e+00> : vector<1xf32>
    %reduce_sum3A_170 = vector.multi_reduction <add>, %reduce_sum3A_168, %reduce_sum3A_169 [1, 2] : vector<1x1x128xf32> to vector<1xf32>
    %reduce_sum3A_171 = vector.shape_cast %reduce_sum3A_170 : vector<1xf32> to vector<1x1x1xf32>
    %reduce_sum3A_172 = vector.extract %reduce_sum3A_171[0, 0, 0] : f32 from vector<1x1x1xf32>
    %sqrt3A_173 = math.sqrt %reduce_sum3A_172 : f32
    %add3A_174 = arith.constant 9.99999996E-13 : f32
    %add3A_175 = arith.addf %sqrt3A_173, %add3A_174 : f32
    %div3A_176 = vector.broadcast %add3A_175 : f32 to vector<1x128xf32>
    %div3A_177 = arith.divf %dot_general3A_166, %div3A_176 : vector<1x128xf32>
    %dot_general3A_178 = arith.constant dense<0.000000e+00> : vector<1x128xf32>
    %dot_general3A_179 = tpu.matmul %div3A_177, %get3A_110, %dot_general3A_178 {dimension_numbers = #tpu.dot_dimension_numbers<[1], [1], [0], [0], [0, 0, 1, 0], [], []>, transpose_lhs_hint = false} : vector<1x128xf32>, vector<128x128xf32>, vector<1x128xf32> -> vector<1x128xf32>
    %mul3A_180 = arith.mulf %dot_general3A_179, %dot_general3A_179 : vector<1x128xf32>
    %reduce_sum3A_181 = vector.shape_cast %mul3A_180 : vector<1x128xf32> to vector<1x1x128xf32>
    %reduce_sum3A_182 = arith.constant dense<0.000000e+00> : vector<1xf32>
    %reduce_sum3A_183 = vector.multi_reduction <add>, %reduce_sum3A_181, %reduce_sum3A_182 [1, 2] : vector<1x1x128xf32> to vector<1xf32>
    %reduce_sum3A_184 = vector.shape_cast %reduce_sum3A_183 : vector<1xf32> to vector<1x1x1xf32>
    %reduce_sum3A_185 = vector.extract %reduce_sum3A_184[0, 0, 0] : f32 from vector<1x1x1xf32>
    %sqrt3A_186 = math.sqrt %reduce_sum3A_185 : f32
    %add3A_187 = arith.constant 9.99999996E-13 : f32
    %add3A_188 = arith.addf %sqrt3A_186, %add3A_187 : f32
    %div3A_189 = vector.broadcast %add3A_188 : f32 to vector<1x128xf32>
    %div3A_190 = arith.divf %dot_general3A_179, %div3A_189 : vector<1x128xf32>
    %dot_general3A_191 = arith.constant dense<0.000000e+00> : vector<1x128xf32>
    %dot_general3A_192 = tpu.matmul %div3A_190, %get3A_110, %dot_general3A_191 {dimension_numbers = #tpu.dot_dimension_numbers<[1], [0], [0], [1], [0, 0, 1, 1], [], []>, transpose_lhs_hint = false} : vector<1x128xf32>, vector<128x128xf32>, vector<1x128xf32> -> vector<1x128xf32>
    %mul3A_193 = arith.mulf %dot_general3A_192, %div3A_177 : vector<1x128xf32>
    %reduce_sum3A_194 = vector.shape_cast %mul3A_193 : vector<1x128xf32> to vector<1x1x128xf32>
    %reduce_sum3A_195 = arith.constant dense<0.000000e+00> : vector<1xf32>
    %reduce_sum3A_196 = vector.multi_reduction <add>, %reduce_sum3A_194, %reduce_sum3A_195 [1, 2] : vector<1x1x128xf32> to vector<1xf32>
    %reduce_sum3A_197 = vector.shape_cast %reduce_sum3A_196 : vector<1xf32> to vector<1x1x1xf32>
    %reduce_sum3A_198 = vector.extract %reduce_sum3A_197[0, 0, 0] : f32 from vector<1x1x1xf32>
    %div3A_199 = vector.broadcast %reduce_sum3A_198 : f32 to vector<128x128xf32>
    %div3A_200 = arith.divf %get3A_110, %div3A_199 : vector<128x128xf32>
    %dot_general3A_201 = arith.constant dense<0.000000e+00> : vector<16x128xf32>
    %dot_general3A_202 = tpu.matmul %select_n3A, %div3A_200, %dot_general3A_201 {dimension_numbers = #tpu.dot_dimension_numbers<[1], [0], [0], [1], [0, 0, 1, 1], [], []>, transpose_lhs_hint = false} : vector<16x128xf32>, vector<128x128xf32>, vector<16x128xf32> -> vector<16x128xf32>
    %get3A_203 = arith.constant 1 : index
    %get3A_204 = arith.constant 0 : index
    %get3A_205 = arith.constant 0 : index
    %get3A_206 = vector.load %arg2[%get3A_203, %get3A_204, %get3A_205] : memref<3x1x128xf32, #tpu.memory_space<vmem>>, vector<1x1x128xf32>
    %get3A_207 = vector.shape_cast %get3A_206 : vector<1x1x128xf32> to vector<1x128xf32>
    %add3A_208 = vector.broadcast %get3A_207 : vector<1x128xf32> to vector<16x128xf32>
    %add3A_209 = arith.addf %dot_general3A_202, %add3A_208 : vector<16x128xf32>
    %custom_jvp_call3A_210 = arith.constant 0.000000e+00 : f32
    %max3A_211 = vector.broadcast %custom_jvp_call3A_210 : f32 to vector<16x128xf32>
    %max3A_212 = arith.maximumf %add3A_209, %max3A_211 : vector<16x128xf32>
    %sub3A_213 = vector.broadcast %custom_jvp_call3A_210 : f32 to vector<16x128xf32>
    %sub3A_214 = arith.subf %add3A_209, %sub3A_213 : vector<16x128xf32>
    %ne3A_215 = arith.cmpf one, %sub3A_214, %sub3A_214 : vector<16x128xf32>
    %add3A_216 = vector.broadcast %custom_jvp_call3A_210 : f32 to vector<16x128xf32>
    %add3A_217 = arith.addf %add3A_209, %add3A_216 : vector<16x128xf32>
    %abs3A_218 = math.absf %sub3A_214 : vector<16x128xf32>
    %neg3A_219 = arith.constant 0.000000e+00 : f32
    %neg3A_220 = vector.broadcast %neg3A_219 : f32 to vector<16x128xf32>
    %neg3A_221 = arith.subf %neg3A_220, %abs3A_218 : vector<16x128xf32>
    %exp3A_222 = math.exp %neg3A_221 : vector<16x128xf32>
    %log1p3A_223 = math.log1p %exp3A_222 : vector<16x128xf32>
    %add3A_224 = arith.addf %max3A_212, %log1p3A_223 : vector<16x128xf32>
    %select_n3A_225 = arith.select %ne3A_215, %add3A_217, %add3A_224 : vector<16x128xi1>, vector<16x128xf32>
    %get3A_226 = arith.constant 2 : index
    %get3A_227 = arith.constant 0 : index
    %get3A_228 = arith.constant 0 : index
    %get3A_229 = vector.load %arg1[%get3A_226, %get3A_227, %get3A_228] : memref<3x128x128xf32, #tpu.memory_space<vmem>>, vector<1x128x128xf32>
    %get3A_230 = vector.shape_cast %get3A_229 : vector<1x128x128xf32> to vector<128x128xf32>
    %broadcast_in_dim3A_231 = arith.constant 0.0883883461 : f32
    %broadcast_in_dim3A_232 = vector.broadcast %broadcast_in_dim3A_231 : f32 to vector<1x128xf32>
    %dot_general3A_233 = arith.constant dense<0.000000e+00> : vector<1x128xf32>
    %dot_general3A_234 = tpu.matmul %broadcast_in_dim3A_232, %get3A_230, %dot_general3A_233 {dimension_numbers = #tpu.dot_dimension_numbers<[1], [0], [0], [1], [0, 0, 1, 1], [], []>, transpose_lhs_hint = false} : vector<1x128xf32>, vector<128x128xf32>, vector<1x128xf32> -> vector<1x128xf32>
    %mul3A_235 = arith.mulf %dot_general3A_234, %dot_general3A_234 : vector<1x128xf32>
    %reduce_sum3A_236 = vector.shape_cast %mul3A_235 : vector<1x128xf32> to vector<1x1x128xf32>
    %reduce_sum3A_237 = arith.constant dense<0.000000e+00> : vector<1xf32>
    %reduce_sum3A_238 = vector.multi_reduction <add>, %reduce_sum3A_236, %reduce_sum3A_237 [1, 2] : vector<1x1x128xf32> to vector<1xf32>
    %reduce_sum3A_239 = vector.shape_cast %reduce_sum3A_238 : vector<1xf32> to vector<1x1x1xf32>
    %reduce_sum3A_240 = vector.extract %reduce_sum3A_239[0, 0, 0] : f32 from vector<1x1x1xf32>
    %sqrt3A_241 = math.sqrt %reduce_sum3A_240 : f32
    %add3A_242 = arith.constant 9.99999996E-13 : f32
    %add3A_243 = arith.addf %sqrt3A_241, %add3A_242 : f32
    %div3A_244 = vector.broadcast %add3A_243 : f32 to vector<1x128xf32>
    %div3A_245 = arith.divf %dot_general3A_234, %div3A_244 : vector<1x128xf32>
    %dot_general3A_246 = arith.constant dense<0.000000e+00> : vector<1x128xf32>
    %dot_general3A_247 = tpu.matmul %div3A_245, %get3A_230, %dot_general3A_246 {dimension_numbers = #tpu.dot_dimension_numbers<[1], [1], [0], [0], [0, 0, 1, 0], [], []>, transpose_lhs_hint = false} : vector<1x128xf32>, vector<128x128xf32>, vector<1x128xf32> -> vector<1x128xf32>
    %mul3A_248 = arith.mulf %dot_general3A_247, %dot_general3A_247 : vector<1x128xf32>
    %reduce_sum3A_249 = vector.shape_cast %mul3A_248 : vector<1x128xf32> to vector<1x1x128xf32>
    %reduce_sum3A_250 = arith.constant dense<0.000000e+00> : vector<1xf32>
    %reduce_sum3A_251 = vector.multi_reduction <add>, %reduce_sum3A_249, %reduce_sum3A_250 [1, 2] : vector<1x1x128xf32> to vector<1xf32>
    %reduce_sum3A_252 = vector.shape_cast %reduce_sum3A_251 : vector<1xf32> to vector<1x1x1xf32>
    %reduce_sum3A_253 = vector.extract %reduce_sum3A_252[0, 0, 0] : f32 from vector<1x1x1xf32>
    %sqrt3A_254 = math.sqrt %reduce_sum3A_253 : f32
    %add3A_255 = arith.constant 9.99999996E-13 : f32
    %add3A_256 = arith.addf %sqrt3A_254, %add3A_255 : f32
    %div3A_257 = vector.broadcast %add3A_256 : f32 to vector<1x128xf32>
    %div3A_258 = arith.divf %dot_general3A_247, %div3A_257 : vector<1x128xf32>
    %dot_general3A_259 = arith.constant dense<0.000000e+00> : vector<1x128xf32>
    %dot_general3A_260 = tpu.matmul %div3A_258, %get3A_230, %dot_general3A_259 {dimension_numbers = #tpu.dot_dimension_numbers<[1], [0], [0], [1], [0, 0, 1, 1], [], []>, transpose_lhs_hint = false} : vector<1x128xf32>, vector<128x128xf32>, vector<1x128xf32> -> vector<1x128xf32>
    %mul3A_261 = arith.mulf %dot_general3A_260, %dot_general3A_260 : vector<1x128xf32>
    %reduce_sum3A_262 = vector.shape_cast %mul3A_261 : vector<1x128xf32> to vector<1x1x128xf32>
    %reduce_sum3A_263 = arith.constant dense<0.000000e+00> : vector<1xf32>
    %reduce_sum3A_264 = vector.multi_reduction <add>, %reduce_sum3A_262, %reduce_sum3A_263 [1, 2] : vector<1x1x128xf32> to vector<1xf32>
    %reduce_sum3A_265 = vector.shape_cast %reduce_sum3A_264 : vector<1xf32> to vector<1x1x1xf32>
    %reduce_sum3A_266 = vector.extract %reduce_sum3A_265[0, 0, 0] : f32 from vector<1x1x1xf32>
    %sqrt3A_267 = math.sqrt %reduce_sum3A_266 : f32
    %add3A_268 = arith.constant 9.99999996E-13 : f32
    %add3A_269 = arith.addf %sqrt3A_267, %add3A_268 : f32
    %div3A_270 = vector.broadcast %add3A_269 : f32 to vector<1x128xf32>
    %div3A_271 = arith.divf %dot_general3A_260, %div3A_270 : vector<1x128xf32>
    %dot_general3A_272 = arith.constant dense<0.000000e+00> : vector<1x128xf32>
    %dot_general3A_273 = tpu.matmul %div3A_271, %get3A_230, %dot_general3A_272 {dimension_numbers = #tpu.dot_dimension_numbers<[1], [1], [0], [0], [0, 0, 1, 0], [], []>, transpose_lhs_hint = false} : vector<1x128xf32>, vector<128x128xf32>, vector<1x128xf32> -> vector<1x128xf32>
    %mul3A_274 = arith.mulf %dot_general3A_273, %dot_general3A_273 : vector<1x128xf32>
    %reduce_sum3A_275 = vector.shape_cast %mul3A_274 : vector<1x128xf32> to vector<1x1x128xf32>
    %reduce_sum3A_276 = arith.constant dense<0.000000e+00> : vector<1xf32>
    %reduce_sum3A_277 = vector.multi_reduction <add>, %reduce_sum3A_275, %reduce_sum3A_276 [1, 2] : vector<1x1x128xf32> to vector<1xf32>
    %reduce_sum3A_278 = vector.shape_cast %reduce_sum3A_277 : vector<1xf32> to vector<1x1x1xf32>
    %reduce_sum3A_279 = vector.extract %reduce_sum3A_278[0, 0, 0] : f32 from vector<1x1x1xf32>
    %sqrt3A_280 = math.sqrt %reduce_sum3A_279 : f32
    %add3A_281 = arith.constant 9.99999996E-13 : f32
    %add3A_282 = arith.addf %sqrt3A_280, %add3A_281 : f32
    %div3A_283 = vector.broadcast %add3A_282 : f32 to vector<1x128xf32>
    %div3A_284 = arith.divf %dot_general3A_273, %div3A_283 : vector<1x128xf32>
    %dot_general3A_285 = arith.constant dense<0.000000e+00> : vector<1x128xf32>
    %dot_general3A_286 = tpu.matmul %div3A_284, %get3A_230, %dot_general3A_285 {dimension_numbers = #tpu.dot_dimension_numbers<[1], [0], [0], [1], [0, 0, 1, 1], [], []>, transpose_lhs_hint = false} : vector<1x128xf32>, vector<128x128xf32>, vector<1x128xf32> -> vector<1x128xf32>
    %mul3A_287 = arith.mulf %dot_general3A_286, %dot_general3A_286 : vector<1x128xf32>
    %reduce_sum3A_288 = vector.shape_cast %mul3A_287 : vector<1x128xf32> to vector<1x1x128xf32>
    %reduce_sum3A_289 = arith.constant dense<0.000000e+00> : vector<1xf32>
    %reduce_sum3A_290 = vector.multi_reduction <add>, %reduce_sum3A_288, %reduce_sum3A_289 [1, 2] : vector<1x1x128xf32> to vector<1xf32>
    %reduce_sum3A_291 = vector.shape_cast %reduce_sum3A_290 : vector<1xf32> to vector<1x1x1xf32>
    %reduce_sum3A_292 = vector.extract %reduce_sum3A_291[0, 0, 0] : f32 from vector<1x1x1xf32>
    %sqrt3A_293 = math.sqrt %reduce_sum3A_292 : f32
    %add3A_294 = arith.constant 9.99999996E-13 : f32
    %add3A_295 = arith.addf %sqrt3A_293, %add3A_294 : f32
    %div3A_296 = vector.broadcast %add3A_295 : f32 to vector<1x128xf32>
    %div3A_297 = arith.divf %dot_general3A_286, %div3A_296 : vector<1x128xf32>
    %dot_general3A_298 = arith.constant dense<0.000000e+00> : vector<1x128xf32>
    %dot_general3A_299 = tpu.matmul %div3A_297, %get3A_230, %dot_general3A_298 {dimension_numbers = #tpu.dot_dimension_numbers<[1], [1], [0], [0], [0, 0, 1, 0], [], []>, transpose_lhs_hint = false} : vector<1x128xf32>, vector<128x128xf32>, vector<1x128xf32> -> vector<1x128xf32>
    %mul3A_300 = arith.mulf %dot_general3A_299, %dot_general3A_299 : vector<1x128xf32>
    %reduce_sum3A_301 = vector.shape_cast %mul3A_300 : vector<1x128xf32> to vector<1x1x128xf32>
    %reduce_sum3A_302 = arith.constant dense<0.000000e+00> : vector<1xf32>
    %reduce_sum3A_303 = vector.multi_reduction <add>, %reduce_sum3A_301, %reduce_sum3A_302 [1, 2] : vector<1x1x128xf32> to vector<1xf32>
    %reduce_sum3A_304 = vector.shape_cast %reduce_sum3A_303 : vector<1xf32> to vector<1x1x1xf32>
    %reduce_sum3A_305 = vector.extract %reduce_sum3A_304[0, 0, 0] : f32 from vector<1x1x1xf32>
    %sqrt3A_306 = math.sqrt %reduce_sum3A_305 : f32
    %add3A_307 = arith.constant 9.99999996E-13 : f32
    %add3A_308 = arith.addf %sqrt3A_306, %add3A_307 : f32
    %div3A_309 = vector.broadcast %add3A_308 : f32 to vector<1x128xf32>
    %div3A_310 = arith.divf %dot_general3A_299, %div3A_309 : vector<1x128xf32>
    %dot_general3A_311 = arith.constant dense<0.000000e+00> : vector<1x128xf32>
    %dot_general3A_312 = tpu.matmul %div3A_310, %get3A_230, %dot_general3A_311 {dimension_numbers = #tpu.dot_dimension_numbers<[1], [0], [0], [1], [0, 0, 1, 1], [], []>, transpose_lhs_hint = false} : vector<1x128xf32>, vector<128x128xf32>, vector<1x128xf32> -> vector<1x128xf32>
    %mul3A_313 = arith.mulf %dot_general3A_312, %div3A_297 : vector<1x128xf32>
    %reduce_sum3A_314 = vector.shape_cast %mul3A_313 : vector<1x128xf32> to vector<1x1x128xf32>
    %reduce_sum3A_315 = arith.constant dense<0.000000e+00> : vector<1xf32>
    %reduce_sum3A_316 = vector.multi_reduction <add>, %reduce_sum3A_314, %reduce_sum3A_315 [1, 2] : vector<1x1x128xf32> to vector<1xf32>
    %reduce_sum3A_317 = vector.shape_cast %reduce_sum3A_316 : vector<1xf32> to vector<1x1x1xf32>
    %reduce_sum3A_318 = vector.extract %reduce_sum3A_317[0, 0, 0] : f32 from vector<1x1x1xf32>
    %div3A_319 = vector.broadcast %reduce_sum3A_318 : f32 to vector<128x128xf32>
    %div3A_320 = arith.divf %get3A_230, %div3A_319 : vector<128x128xf32>
    %dot_general3A_321 = arith.constant dense<0.000000e+00> : vector<16x128xf32>
    %dot_general3A_322 = tpu.matmul %select_n3A_225, %div3A_320, %dot_general3A_321 {dimension_numbers = #tpu.dot_dimension_numbers<[1], [0], [0], [1], [0, 0, 1, 1], [], []>, transpose_lhs_hint = false} : vector<16x128xf32>, vector<128x128xf32>, vector<16x128xf32> -> vector<16x128xf32>
    %get3A_323 = arith.constant 2 : index
    %get3A_324 = arith.constant 0 : index
    %get3A_325 = arith.constant 0 : index
    %get3A_326 = vector.load %arg2[%get3A_323, %get3A_324, %get3A_325] : memref<3x1x128xf32, #tpu.memory_space<vmem>>, vector<1x1x128xf32>
    %get3A_327 = vector.shape_cast %get3A_326 : vector<1x1x128xf32> to vector<1x128xf32>
    %add3A_328 = vector.broadcast %get3A_327 : vector<1x128xf32> to vector<16x128xf32>
    %add3A_329 = arith.addf %dot_general3A_322, %add3A_328 : vector<16x128xf32>
    %custom_jvp_call3A_330 = arith.constant 0.000000e+00 : f32
    %max3A_331 = vector.broadcast %custom_jvp_call3A_330 : f32 to vector<16x128xf32>
    %max3A_332 = arith.maximumf %add3A_329, %max3A_331 : vector<16x128xf32>
    %sub3A_333 = vector.broadcast %custom_jvp_call3A_330 : f32 to vector<16x128xf32>
    %sub3A_334 = arith.subf %add3A_329, %sub3A_333 : vector<16x128xf32>
    %ne3A_335 = arith.cmpf one, %sub3A_334, %sub3A_334 : vector<16x128xf32>
    %add3A_336 = vector.broadcast %custom_jvp_call3A_330 : f32 to vector<16x128xf32>
    %add3A_337 = arith.addf %add3A_329, %add3A_336 : vector<16x128xf32>
    %abs3A_338 = math.absf %sub3A_334 : vector<16x128xf32>
    %neg3A_339 = arith.constant 0.000000e+00 : f32
    %neg3A_340 = vector.broadcast %neg3A_339 : f32 to vector<16x128xf32>
    %neg3A_341 = arith.subf %neg3A_340, %abs3A_338 : vector<16x128xf32>
    %exp3A_342 = math.exp %neg3A_341 : vector<16x128xf32>
    %log1p3A_343 = math.log1p %exp3A_342 : vector<16x128xf32>
    %add3A_344 = arith.addf %max3A_332, %log1p3A_343 : vector<16x128xf32>
    %select_n3A_345 = arith.select %ne3A_335, %add3A_337, %add3A_344 : vector<16x128xi1>, vector<16x128xf32>
    %get3A_346 = arith.constant 0 : index
    %get3A_347 = arith.constant 0 : index
    %get3A_348 = vector.load %arg3[%get3A_346, %get3A_347] : memref<128x128xf32, #tpu.memory_space<vmem>>, vector<128x128xf32>
    %dot_general3A_349 = arith.constant dense<0.000000e+00> : vector<16x128xf32>
    %dot_general3A_350 = tpu.matmul %select_n3A_345, %get3A_348, %dot_general3A_349 {dimension_numbers = #tpu.dot_dimension_numbers<[1], [0], [0], [1], [0, 0, 1, 1], [], []>, transpose_lhs_hint = false} : vector<16x128xf32>, vector<128x128xf32>, vector<16x128xf32> -> vector<16x128xf32>
    %get3A_351 = arith.constant 0 : index
    %get3A_352 = arith.constant 0 : index
    %get3A_353 = vector.load %arg4[%get3A_351, %get3A_352] : memref<1x128xf32, #tpu.memory_space<vmem>>, vector<1x128xf32>
    %add3A_354 = vector.broadcast %get3A_353 : vector<1x128xf32> to vector<16x128xf32>
    %add3A_355 = arith.addf %dot_general3A_350, %add3A_354 : vector<16x128xf32>
    %swap3A = arith.constant 0 : index
    %swap3A_356 = arith.constant 0 : index
    %swap3A_357 = vector.load %arg5[%swap3A, %swap3A_356] : memref<16x128xf32, #tpu.memory_space<vmem>>, vector<16x128xf32>
    tpu.vector_store %arg5[%swap3A, %swap3A_356], %add3A_355 {strides = array<i32>} : memref<16x128xf32, #tpu.memory_space<vmem>>, vector<16x128xf32>,
    return
  }
}

module attributes {stable_mosaic.version = 14 : i64} {
  func.func @_conv_body(%arg0: i32, %arg1: memref<1x64x1xi32, #tpu.memory_space<vmem>>, %arg2: memref<1x64x128xi32, #tpu.memory_space<vmem>>, %arg3: memref<1x64x128xf32, #tpu.memory_space<vmem>>, %arg4: memref<1x1x1xf32, #tpu.memory_space<vmem>>, %arg5: memref<128x128xf32, #tpu.memory_space<vmem>>, %arg6: memref<3x128x128xf32, #tpu.memory_space<vmem>>, %arg7: memref<3x128x128xf32, #tpu.memory_space<vmem>>, %arg8: memref<3x128x128xf32, #tpu.memory_space<vmem>>, %arg9: memref<3x1x128xf32, #tpu.memory_space<vmem>>, %arg10: memref<3x128x128xf32, #tpu.memory_space<vmem>>, %arg11: memref<3x128x128xf32, #tpu.memory_space<vmem>>, %arg12: memref<3x128x128xf32, #tpu.memory_space<vmem>>, %arg13: memref<3x1x128xf32, #tpu.memory_space<vmem>>, %arg14: memref<1x1x128xf32, #tpu.memory_space<vmem>>) attributes {dimension_semantics = [#tpu.dimension_semantics<arbitrary>], iteration_bounds = array<i64: 16>, scalar_prefetch = 0 : i64, scratch_operands = 0 : i64, tpu.core_type = #tpu.core_type<tc>, window_params = [{transform_indices = @transform_0, window_bounds = array<i64: 1, 64, 1>}, {transform_indices = @transform_1, window_bounds = array<i64: 1, 64, 128>}, {transform_indices = @transform_2, window_bounds = array<i64: 1, 64, 128>}, {transform_indices = @transform_3, window_bounds = array<i64: 1, 1, 1>}, {pipeline_mode = #tpu.pipeline_mode<synchronous>, transform_indices = @transform_4, window_bounds = array<i64: 128, 128>}, {pipeline_mode = #tpu.pipeline_mode<synchronous>, transform_indices = @transform_5, window_bounds = array<i64: 3, 128, 128>}, {pipeline_mode = #tpu.pipeline_mode<synchronous>, transform_indices = @transform_6, window_bounds = array<i64: 3, 128, 128>}, {pipeline_mode = #tpu.pipeline_mode<synchronous>, transform_indices = @transform_7, window_bounds = array<i64: 3, 128, 128>}, {pipeline_mode = #tpu.pipeline_mode<synchronous>, transform_indices = @transform_8, window_bounds = array<i64: 3, 1, 128>}, {pipeline_mode = #tpu.pipeline_mode<synchronous>, transform_indices = @transform_9, window_bounds = array<i64: 3, 128, 128>}, {pipeline_mode = #tpu.pipeline_mode<synchronous>, transform_indices = @transform_10, window_bounds = array<i64: 3, 128, 128>}, {pipeline_mode = #tpu.pipeline_mode<synchronous>, transform_indices = @transform_11, window_bounds = array<i64: 3, 128, 128>}, {pipeline_mode = #tpu.pipeline_mode<synchronous>, transform_indices = @transform_12, window_bounds = array<i64: 3, 1, 128>}, {transform_indices = @transform_13, window_bounds = array<i64: 1, 1, 128>}]} {
    %get3A = arith.constant 0 : index
    %get3A_0 = arith.constant 0 : index
    %get3A_1 = arith.constant 0 : index
    %get3A_2 = vector.load %arg4[%get3A, %get3A_0, %get3A_1] : memref<1x1x1xf32, #tpu.memory_space<vmem>>, vector<1x1x1xf32>
    %get3A_3 = vector.extract %get3A_2[0, 0, 0] : f32 from vector<1x1x1xf32>
    %get3A_4 = arith.constant 0 : index
    %get3A_5 = arith.constant 0 : index
    %get3A_6 = arith.constant 0 : index
    %get3A_7 = vector.load %arg1[%get3A_4, %get3A_5, %get3A_6] : memref<1x64x1xi32, #tpu.memory_space<vmem>>, vector<1x64x1xi32>
    %get3A_8 = vector.shape_cast %get3A_7 : vector<1x64x1xi32> to vector<64x1xi32>
    %sub3A = arith.constant 1 : i32
    %sub3A_9 = vector.broadcast %sub3A : i32 to vector<64x1xi32>
    %sub3A_10 = arith.subi %get3A_8, %sub3A_9 : vector<64x1xi32>
    %iota3A = tpu.iota {dimensions = array<i32: 1>} : vector<64x128xi32>
    %eq3A = vector.broadcast %sub3A_10 : vector<64x1xi32> to vector<64x128xi32>
    %eq3A_11 = arith.cmpi eq, %eq3A, %iota3A : vector<64x128xi32>
    %convert_element_type3A = arith.extui %eq3A_11 : vector<64x128xi1> to vector<64x128xi32>
    %convert_element_type3A_12 = arith.sitofp %convert_element_type3A : vector<64x128xi32> to vector<64x128xf32>
    %get3A_13 = arith.constant 0 : index
    %get3A_14 = arith.constant 0 : index
    %get3A_15 = vector.load %arg5[%get3A_13, %get3A_14] : memref<128x128xf32, #tpu.memory_space<vmem>>, vector<128x128xf32>
    %dot_general3A = arith.constant dense<0.000000e+00> : vector<64x128xf32>
    %dot_general3A_16 = tpu.matmul %convert_element_type3A_12, %get3A_15, %dot_general3A {dimension_numbers = #tpu.dot_dimension_numbers<[1], [0], [0], [1], [0, 0, 1, 1], [], []>, precision = #tpu.contract_precision<fp32>, transpose_lhs_hint = false} : vector<64x128xf32>, vector<128x128xf32>, vector<64x128xf32> -> vector<64x128xf32>
    %tanh3A = math.tanh %dot_general3A_16 : vector<64x128xf32>
    %get3A_17 = arith.constant 0 : index
    %get3A_18 = arith.constant 0 : index
    %get3A_19 = arith.constant 0 : index
    %get3A_20 = vector.load %arg2[%get3A_17, %get3A_18, %get3A_19] : memref<1x64x128xi32, #tpu.memory_space<vmem>>, vector<1x64x128xi32>
    %get3A_21 = vector.shape_cast %get3A_20 : vector<1x64x128xi32> to vector<64x128xi32>
    %convert_element_type3A_22 = arith.sitofp %get3A_21 : vector<64x128xi32> to vector<64x128xf32>
    %get3A_23 = arith.constant 0 : index
    %get3A_24 = arith.constant 0 : index
    %get3A_25 = arith.constant 0 : index
    %get3A_26 = vector.load %arg3[%get3A_23, %get3A_24, %get3A_25] : memref<1x64x128xf32, #tpu.memory_space<vmem>>, vector<1x64x128xf32>
    %get3A_27 = vector.shape_cast %get3A_26 : vector<1x64x128xf32> to vector<64x128xf32>
    %gt3A = arith.constant 9.99999974E-5 : f32
    %gt3A_28 = vector.broadcast %gt3A : f32 to vector<64x128xf32>
    %gt3A_29 = arith.cmpf ogt, %get3A_27, %gt3A_28 : vector<64x128xf32>
    %sqrt3A = math.sqrt %get3A_27 : vector<64x128xf32>
    %div3A = arith.constant 3.14159274 : f32
    %div3A_30 = arith.divf %div3A, %get3A_3 : f32
    %mul3A = vector.broadcast %div3A_30 : f32 to vector<64x128xf32>
    %mul3A_31 = arith.mulf %sqrt3A, %mul3A : vector<64x128xf32>
    %cos3A = math.cos %mul3A_31 : vector<64x128xf32>
    %add3A = arith.constant 1.000000e+00 : f32
    %add3A_32 = vector.broadcast %add3A : f32 to vector<64x128xf32>
    %add3A_33 = arith.addf %cos3A, %add3A_32 : vector<64x128xf32>
    %jit3A = arith.constant 0.000000e+00 : f32
    %broadcast_in_dim3A = vector.broadcast %jit3A : f32 to vector<64x128xf32>
    %select_n3A = arith.select %gt3A_29, %add3A_33, %broadcast_in_dim3A : vector<64x128xi1>, vector<64x128xf32>
    %concatenate3A = tpu.concatenate %convert_element_type3A_22, %get3A_27, %select_n3A in 1 : vector<64x128xf32>, vector<64x128xf32>, vector<64x128xf32> -> vector<64x384xf32>
    %iota3A_34 = tpu.iota {dimensions = array<i32: 1>} : vector<1x128xi32>
    %convert_element_type3A_35 = arith.sitofp %iota3A_34 : vector<1x128xi32> to vector<1x128xf32>
    %mul3A_36 = arith.constant 0.122448981 : f32
    %mul3A_37 = vector.broadcast %mul3A_36 : f32 to vector<1x128xf32>
    %mul3A_38 = arith.mulf %convert_element_type3A_35, %mul3A_37 : vector<1x128xf32>
    %iota3A_39 = tpu.iota {dimensions = array<i32: 0>} : vector<2048x128xi32>
    %and3A = arith.constant 127 : i32
    %and3A_40 = vector.broadcast %and3A : i32 to vector<2048x128xi32>
    %and3A_41 = arith.andi %iota3A_39, %and3A_40 : vector<2048x128xi32>
    %iota3A_42 = tpu.iota {dimensions = array<i32: 1>} : vector<2048x128xi32>
    %eq3A_43 = arith.cmpi eq, %and3A_41, %iota3A_42 : vector<2048x128xi32>
    %convert_element_type3A_44 = arith.extui %eq3A_43 : vector<2048x128xi1> to vector<2048x128xi32>
    %convert_element_type3A_45 = arith.sitofp %convert_element_type3A_44 : vector<2048x128xi32> to vector<2048x128xf32>
    %iota3A_46 = tpu.iota {dimensions = array<i32: 1>} : vector<2048x64xi32>
    %convert_element_type3A_47 = arith.sitofp %iota3A_46 : vector<2048x64xi32> to vector<2048x64xf32>
    %get3A_48 = arith.constant 0 : index
    %get3A_49 = arith.constant 0 : index
    %get3A_50 = arith.constant 0 : index
    %get3A_51 = vector.load %arg6[%get3A_48, %get3A_49, %get3A_50] : memref<3x128x128xf32, #tpu.memory_space<vmem>>, vector<1x128x128xf32>
    %get3A_52 = vector.shape_cast %get3A_51 : vector<1x128x128xf32> to vector<128x128xf32>
    %dot_general3A_53 = arith.constant dense<0.000000e+00> : vector<64x128xf32>
    %dot_general3A_54 = tpu.matmul %tanh3A, %get3A_52, %dot_general3A_53 {dimension_numbers = #tpu.dot_dimension_numbers<[1], [0], [0], [1], [0, 0, 1, 1], [], []>, transpose_lhs_hint = false} : vector<64x128xf32>, vector<128x128xf32>, vector<64x128xf32> -> vector<64x128xf32>
    %get3A_55 = arith.constant 0 : index
    %get3A_56 = arith.constant 0 : index
    %get3A_57 = arith.constant 0 : index
    %get3A_58 = vector.load %arg7[%get3A_55, %get3A_56, %get3A_57] : memref<3x128x128xf32, #tpu.memory_space<vmem>>, vector<1x128x128xf32>
    %get3A_59 = vector.shape_cast %get3A_58 : vector<1x128x128xf32> to vector<128x128xf32>
    %dot_general3A_60 = arith.constant dense<0.000000e+00> : vector<64x128xf32>
    %dot_general3A_61 = tpu.matmul %tanh3A, %get3A_59, %dot_general3A_60 {dimension_numbers = #tpu.dot_dimension_numbers<[1], [0], [0], [1], [0, 0, 1, 1], [], []>, transpose_lhs_hint = false} : vector<64x128xf32>, vector<128x128xf32>, vector<64x128xf32> -> vector<64x128xf32>
    %get3A_62 = arith.constant 0 : index
    %get3A_63 = arith.constant 0 : index
    %get3A_64 = arith.constant 0 : index
    %get3A_65 = vector.load %arg10[%get3A_62, %get3A_63, %get3A_64] : memref<3x128x128xf32, #tpu.memory_space<vmem>>, vector<1x128x128xf32>
    %get3A_66 = vector.shape_cast %get3A_65 : vector<1x128x128xf32> to vector<128x128xf32>
    %dot_general3A_67 = arith.constant dense<0.000000e+00> : vector<64x128xf32>
    %dot_general3A_68 = tpu.matmul %tanh3A, %get3A_66, %dot_general3A_67 {dimension_numbers = #tpu.dot_dimension_numbers<[1], [0], [0], [1], [0, 0, 1, 1], [], []>, transpose_lhs_hint = false} : vector<64x128xf32>, vector<128x128xf32>, vector<64x128xf32> -> vector<64x128xf32>
    %get3A_69 = arith.constant 0 : index
    %get3A_70 = arith.constant 0 : index
    %get3A_71 = arith.constant 0 : index
    %get3A_72 = vector.load %arg11[%get3A_69, %get3A_70, %get3A_71] : memref<3x128x128xf32, #tpu.memory_space<vmem>>, vector<1x128x128xf32>
    %get3A_73 = vector.shape_cast %get3A_72 : vector<1x128x128xf32> to vector<128x128xf32>
    %dot_general3A_74 = arith.constant dense<0.000000e+00> : vector<64x128xf32>
    %dot_general3A_75 = tpu.matmul %tanh3A, %get3A_73, %dot_general3A_74 {dimension_numbers = #tpu.dot_dimension_numbers<[1], [0], [0], [1], [0, 0, 1, 1], [], []>, transpose_lhs_hint = false} : vector<64x128xf32>, vector<128x128xf32>, vector<64x128xf32> -> vector<64x128xf32>
    %get3A_76 = arith.constant 0 : index
    %get3A_77 = arith.constant 0 : index
    %get3A_78 = arith.constant 0 : index
    %get3A_79 = vector.load %arg8[%get3A_76, %get3A_77, %get3A_78] : memref<3x128x128xf32, #tpu.memory_space<vmem>>, vector<1x128x128xf32>
    %get3A_80 = vector.shape_cast %get3A_79 : vector<1x128x128xf32> to vector<128x128xf32>
    %get3A_81 = arith.constant 0 : index
    %get3A_82 = arith.constant 0 : index
    %get3A_83 = arith.constant 0 : index
    %get3A_84 = vector.load %arg12[%get3A_81, %get3A_82, %get3A_83] : memref<3x128x128xf32, #tpu.memory_space<vmem>>, vector<1x128x128xf32>
    %get3A_85 = vector.shape_cast %get3A_84 : vector<1x128x128xf32> to vector<128x128xf32>
    %get3A_86 = arith.constant 0 : index
    %get3A_87 = arith.constant 0 : index
    %get3A_88 = arith.constant 0 : index
    %get3A_89 = vector.load %arg9[%get3A_86, %get3A_87, %get3A_88] : memref<3x1x128xf32, #tpu.memory_space<vmem>>, vector<1x1x128xf32>
    %get3A_90 = vector.shape_cast %get3A_89 : vector<1x1x128xf32> to vector<1x128xf32>
    %get3A_91 = arith.constant 0 : index
    %get3A_92 = arith.constant 0 : index
    %get3A_93 = arith.constant 0 : index
    %get3A_94 = vector.load %arg13[%get3A_91, %get3A_92, %get3A_93] : memref<3x1x128xf32, #tpu.memory_space<vmem>>, vector<1x1x128xf32>
    %get3A_95 = vector.shape_cast %get3A_94 : vector<1x1x128xf32> to vector<1x128xf32>
    %broadcast_in_dim3A_96 = arith.constant 0.000000e+00 : f32
    %broadcast_in_dim3A_97 = vector.broadcast %broadcast_in_dim3A_96 : f32 to vector<64x128xf32>
    %scan3A = arith.constant 0 : i32
    %scan3A_98 = arith.constant 4 : i32
    %scan3A_99 = arith.addi %scan3A, %scan3A_98 : i32
    %scan3A_100 = arith.constant 1 : i32
    %scan3A_101 = scf.for %scan3A_268 = %scan3A to %scan3A_99 step %scan3A_100 iter_args(%scan3A_269 = %broadcast_in_dim3A_97) -> (vector<64x128xf32>)  : i32 {
      %iota3A_270 = tpu.iota {dimensions = array<i32: 0>} : vector<2048x64xi32>
      %mul3A_271 = arith.constant 16 : i32
      %mul3A_272 = arith.muli %scan3A_268, %mul3A_271 : i32
      %shift_right_logical3A = arith.constant 7 : i32
      %shift_right_logical3A_273 = vector.broadcast %shift_right_logical3A : i32 to vector<2048x64xi32>
      %shift_right_logical3A_274 = arith.shrui %iota3A_270, %shift_right_logical3A_273 : vector<2048x64xi32>
      %add3A_275 = vector.broadcast %mul3A_272 : i32 to vector<2048x64xi32>
      %add3A_276 = arith.addi %add3A_275, %shift_right_logical3A_274 : vector<2048x64xi32>
      %iota3A_277 = tpu.iota {dimensions = array<i32: 1>} : vector<2048x64xi32>
      %eq3A_278 = arith.cmpi eq, %add3A_276, %iota3A_277 : vector<2048x64xi32>
      %convert_element_type3A_279 = arith.extui %eq3A_278 : vector<2048x64xi1> to vector<2048x64xi32>
      %convert_element_type3A_280 = arith.sitofp %convert_element_type3A_279 : vector<2048x64xi32> to vector<2048x64xf32>
      %dot_general3A_281 = arith.constant dense<0.000000e+00> : vector<2048x384xf32>
      %dot_general3A_282 = tpu.matmul %convert_element_type3A_280, %concatenate3A, %dot_general3A_281 {dimension_numbers = #tpu.dot_dimension_numbers<[1], [0], [0], [1], [0, 0, 1, 1], [], []>, precision = #tpu.contract_precision<fp32>, transpose_lhs_hint = false} : vector<2048x64xf32>, vector<64x384xf32>, vector<2048x384xf32> -> vector<2048x384xf32>
      %slice3A = vector.extract_strided_slice %dot_general3A_282 {offsets = [0, 0], sizes = [2048, 128], strides = [1, 1]} : vector<2048x384xf32> to vector<2048x128xf32>
      %mul3A_283 = arith.mulf %slice3A, %convert_element_type3A_45 : vector<2048x128xf32>
      %reduce_sum3A_284 = arith.constant dense<0.000000e+00> : vector<2048xf32>
      %reduce_sum3A_285 = vector.multi_reduction <add>, %mul3A_283, %reduce_sum3A_284 [1] : vector<2048x128xf32> to vector<2048xf32>
      %broadcast_in_dim3A_286 = vector.shape_cast %reduce_sum3A_285 : vector<2048xf32> to vector<2048x1xf32>
      %slice3A_287 = vector.extract_strided_slice %dot_general3A_282 {offsets = [0, 128], sizes = [2048, 128], strides = [1, 1]} : vector<2048x384xf32> to vector<2048x128xf32>
      %mul3A_288 = arith.mulf %slice3A_287, %convert_element_type3A_45 : vector<2048x128xf32>
      %reduce_sum3A_289 = arith.constant dense<0.000000e+00> : vector<2048xf32>
      %reduce_sum3A_290 = vector.multi_reduction <add>, %mul3A_288, %reduce_sum3A_289 [1] : vector<2048x128xf32> to vector<2048xf32>
      %broadcast_in_dim3A_291 = vector.shape_cast %reduce_sum3A_290 : vector<2048xf32> to vector<2048x1xf32>
      %slice3A_292 = vector.extract_strided_slice %dot_general3A_282 {offsets = [0, 256], sizes = [2048, 128], strides = [1, 1]} : vector<2048x384xf32> to vector<2048x128xf32>
      %mul3A_293 = arith.mulf %slice3A_292, %convert_element_type3A_45 : vector<2048x128xf32>
      %reduce_sum3A_294 = arith.constant dense<0.000000e+00> : vector<2048xf32>
      %reduce_sum3A_295 = vector.multi_reduction <add>, %mul3A_293, %reduce_sum3A_294 [1] : vector<2048x128xf32> to vector<2048xf32>
      %broadcast_in_dim3A_296 = vector.shape_cast %reduce_sum3A_295 : vector<2048xf32> to vector<2048x1xf32>
      %eq3A_297 = vector.broadcast %broadcast_in_dim3A_286 : vector<2048x1xf32> to vector<2048x64xf32>
      %eq3A_298 = arith.cmpf oeq, %eq3A_297, %convert_element_type3A_47 : vector<2048x64xf32>
      %convert_element_type3A_299 = arith.extui %eq3A_298 : vector<2048x64xi1> to vector<2048x64xi32>
      %convert_element_type3A_300 = arith.sitofp %convert_element_type3A_299 : vector<2048x64xi32> to vector<2048x64xf32>
      %sqrt3A_301 = math.sqrt %broadcast_in_dim3A_291 : vector<2048x1xf32>
      %sub3A_302 = vector.broadcast %sqrt3A_301 : vector<2048x1xf32> to vector<2048x128xf32>
      %sub3A_303 = vector.broadcast %mul3A_38 : vector<1x128xf32> to vector<2048x128xf32>
      %sub3A_304 = arith.subf %sub3A_302, %sub3A_303 : vector<2048x128xf32>
      %integer_pow3A = arith.mulf %sub3A_304, %sub3A_304 : vector<2048x128xf32>
      %mul3A_305 = arith.constant -33.3472214 : f32
      %mul3A_306 = vector.broadcast %mul3A_305 : f32 to vector<2048x128xf32>
      %mul3A_307 = arith.mulf %mul3A_306, %integer_pow3A : vector<2048x128xf32>
      %exp3A_308 = math.exp %mul3A_307 : vector<2048x128xf32>
      %dot_general3A_309 = arith.constant dense<0.000000e+00> : vector<2048x128xf32>
      %dot_general3A_310 = tpu.matmul %convert_element_type3A_280, %dot_general3A_54, %dot_general3A_309 {dimension_numbers = #tpu.dot_dimension_numbers<[1], [0], [0], [1], [0, 0, 1, 1], [], []>, precision = #tpu.contract_precision<fp32>, transpose_lhs_hint = false} : vector<2048x64xf32>, vector<64x128xf32>, vector<2048x128xf32> -> vector<2048x128xf32>
      %dot_general3A_311 = arith.constant dense<0.000000e+00> : vector<2048x128xf32>
      %dot_general3A_312 = tpu.matmul %convert_element_type3A_300, %dot_general3A_61, %dot_general3A_311 {dimension_numbers = #tpu.dot_dimension_numbers<[1], [0], [0], [1], [0, 0, 1, 1], [], []>, precision = #tpu.contract_precision<fp32>, transpose_lhs_hint = false} : vector<2048x64xf32>, vector<64x128xf32>, vector<2048x128xf32> -> vector<2048x128xf32>
      %add3A_313 = arith.addf %dot_general3A_310, %dot_general3A_312 : vector<2048x128xf32>
      %dot_general3A_314 = arith.constant dense<0.000000e+00> : vector<2048x128xf32>
      %dot_general3A_315 = tpu.matmul %exp3A_308, %get3A_80, %dot_general3A_314 {dimension_numbers = #tpu.dot_dimension_numbers<[1], [0], [0], [1], [0, 0, 1, 1], [], []>, transpose_lhs_hint = false} : vector<2048x128xf32>, vector<128x128xf32>, vector<2048x128xf32> -> vector<2048x128xf32>
      %add3A_316 = arith.addf %add3A_313, %dot_general3A_315 : vector<2048x128xf32>
      %add3A_317 = vector.broadcast %get3A_90 : vector<1x128xf32> to vector<2048x128xf32>
      %add3A_318 = arith.addf %add3A_316, %add3A_317 : vector<2048x128xf32>
      %dot_general3A_319 = arith.constant dense<0.000000e+00> : vector<2048x128xf32>
      %dot_general3A_320 = tpu.matmul %convert_element_type3A_280, %dot_general3A_68, %dot_general3A_319 {dimension_numbers = #tpu.dot_dimension_numbers<[1], [0], [0], [1], [0, 0, 1, 1], [], []>, precision = #tpu.contract_precision<fp32>, transpose_lhs_hint = false} : vector<2048x64xf32>, vector<64x128xf32>, vector<2048x128xf32> -> vector<2048x128xf32>
      %dot_general3A_321 = arith.constant dense<0.000000e+00> : vector<2048x128xf32>
      %dot_general3A_322 = tpu.matmul %convert_element_type3A_300, %dot_general3A_75, %dot_general3A_321 {dimension_numbers = #tpu.dot_dimension_numbers<[1], [0], [0], [1], [0, 0, 1, 1], [], []>, precision = #tpu.contract_precision<fp32>, transpose_lhs_hint = false} : vector<2048x64xf32>, vector<64x128xf32>, vector<2048x128xf32> -> vector<2048x128xf32>
      %add3A_323 = arith.addf %dot_general3A_320, %dot_general3A_322 : vector<2048x128xf32>
      %dot_general3A_324 = arith.constant dense<0.000000e+00> : vector<2048x128xf32>
      %dot_general3A_325 = tpu.matmul %exp3A_308, %get3A_85, %dot_general3A_324 {dimension_numbers = #tpu.dot_dimension_numbers<[1], [0], [0], [1], [0, 0, 1, 1], [], []>, transpose_lhs_hint = false} : vector<2048x128xf32>, vector<128x128xf32>, vector<2048x128xf32> -> vector<2048x128xf32>
      %add3A_326 = arith.addf %add3A_323, %dot_general3A_325 : vector<2048x128xf32>
      %add3A_327 = vector.broadcast %get3A_95 : vector<1x128xf32> to vector<2048x128xf32>
      %add3A_328 = arith.addf %add3A_326, %add3A_327 : vector<2048x128xf32>
      %logistic3A = arith.negf %add3A_318 : vector<2048x128xf32>
      %logistic3A_329 = math.exp %logistic3A : vector<2048x128xf32>
      %logistic3A_330 = arith.constant 1.000000e+00 : f32
      %logistic3A_331 = vector.broadcast %logistic3A_330 : f32 to vector<2048x128xf32>
      %logistic3A_332 = arith.addf %logistic3A_331, %logistic3A_329 : vector<2048x128xf32>
      %logistic3A_333 = arith.divf %logistic3A_331, %logistic3A_332 : vector<2048x128xf32>
      %custom_jvp_call3A_334 = arith.constant 0.000000e+00 : f32
      %max3A_335 = vector.broadcast %custom_jvp_call3A_334 : f32 to vector<2048x128xf32>
      %max3A_336 = arith.maximumf %add3A_328, %max3A_335 : vector<2048x128xf32>
      %sub3A_337 = vector.broadcast %custom_jvp_call3A_334 : f32 to vector<2048x128xf32>
      %sub3A_338 = arith.subf %add3A_328, %sub3A_337 : vector<2048x128xf32>
      %ne3A_339 = arith.cmpf one, %sub3A_338, %sub3A_338 : vector<2048x128xf32>
      %add3A_340 = vector.broadcast %custom_jvp_call3A_334 : f32 to vector<2048x128xf32>
      %add3A_341 = arith.addf %add3A_328, %add3A_340 : vector<2048x128xf32>
      %abs3A_342 = math.absf %sub3A_338 : vector<2048x128xf32>
      %neg3A_343 = arith.constant 0.000000e+00 : f32
      %neg3A_344 = vector.broadcast %neg3A_343 : f32 to vector<2048x128xf32>
      %neg3A_345 = arith.subf %neg3A_344, %abs3A_342 : vector<2048x128xf32>
      %exp3A_346 = math.exp %neg3A_345 : vector<2048x128xf32>
      %log1p3A_347 = math.log1p %exp3A_346 : vector<2048x128xf32>
      %add3A_348 = arith.addf %max3A_336, %log1p3A_347 : vector<2048x128xf32>
      %select_n3A_349 = arith.select %ne3A_339, %add3A_341, %add3A_348 : vector<2048x128xi1>, vector<2048x128xf32>
      %mul3A_350 = arith.mulf %logistic3A_333, %select_n3A_349 : vector<2048x128xf32>
      %mul3A_351 = vector.broadcast %broadcast_in_dim3A_296 : vector<2048x1xf32> to vector<2048x128xf32>
      %mul3A_352 = arith.mulf %mul3A_350, %mul3A_351 : vector<2048x128xf32>
      %dot_general3A_353 = arith.constant dense<0.000000e+00> : vector<64x128xf32>
      %dot_general3A_354 = tpu.matmul %convert_element_type3A_280, %mul3A_352, %dot_general3A_353 {dimension_numbers = #tpu.dot_dimension_numbers<[0], [0], [1], [1], [0, 1, 1, 1], [], []>, precision = #tpu.contract_precision<fp32>, transpose_lhs_hint = false} : vector<2048x64xf32>, vector<2048x128xf32>, vector<64x128xf32> -> vector<64x128xf32>
      %add3A_355 = arith.addf %scan3A_269, %dot_general3A_354 : vector<64x128xf32>
      scf.yield %add3A_355 : vector<64x128xf32>
    }
    %scan3A_102 = arith.constant 4 : i32
    %add3A_103 = arith.addf %tanh3A, %scan3A_101 : vector<64x128xf32>
    %custom_jvp_call3A = arith.constant 0.000000e+00 : f32
    %max3A = vector.broadcast %custom_jvp_call3A : f32 to vector<64x128xf32>
    %max3A_104 = arith.maximumf %add3A_103, %max3A : vector<64x128xf32>
    %sub3A_105 = vector.broadcast %custom_jvp_call3A : f32 to vector<64x128xf32>
    %sub3A_106 = arith.subf %add3A_103, %sub3A_105 : vector<64x128xf32>
    %ne3A = arith.cmpf one, %sub3A_106, %sub3A_106 : vector<64x128xf32>
    %add3A_107 = vector.broadcast %custom_jvp_call3A : f32 to vector<64x128xf32>
    %add3A_108 = arith.addf %add3A_103, %add3A_107 : vector<64x128xf32>
    %abs3A = math.absf %sub3A_106 : vector<64x128xf32>
    %neg3A = arith.constant 0.000000e+00 : f32
    %neg3A_109 = vector.broadcast %neg3A : f32 to vector<64x128xf32>
    %neg3A_110 = arith.subf %neg3A_109, %abs3A : vector<64x128xf32>
    %exp3A = math.exp %neg3A_110 : vector<64x128xf32>
    %log1p3A = math.log1p %exp3A : vector<64x128xf32>
    %add3A_111 = arith.addf %max3A_104, %log1p3A : vector<64x128xf32>
    %select_n3A_112 = arith.select %ne3A, %add3A_108, %add3A_111 : vector<64x128xi1>, vector<64x128xf32>
    %get3A_113 = arith.constant 1 : index
    %get3A_114 = arith.constant 0 : index
    %get3A_115 = arith.constant 0 : index
    %get3A_116 = vector.load %arg6[%get3A_113, %get3A_114, %get3A_115] : memref<3x128x128xf32, #tpu.memory_space<vmem>>, vector<1x128x128xf32>
    %get3A_117 = vector.shape_cast %get3A_116 : vector<1x128x128xf32> to vector<128x128xf32>
    %dot_general3A_118 = arith.constant dense<0.000000e+00> : vector<64x128xf32>
    %dot_general3A_119 = tpu.matmul %select_n3A_112, %get3A_117, %dot_general3A_118 {dimension_numbers = #tpu.dot_dimension_numbers<[1], [0], [0], [1], [0, 0, 1, 1], [], []>, transpose_lhs_hint = false} : vector<64x128xf32>, vector<128x128xf32>, vector<64x128xf32> -> vector<64x128xf32>
    %get3A_120 = arith.constant 1 : index
    %get3A_121 = arith.constant 0 : index
    %get3A_122 = arith.constant 0 : index
    %get3A_123 = vector.load %arg7[%get3A_120, %get3A_121, %get3A_122] : memref<3x128x128xf32, #tpu.memory_space<vmem>>, vector<1x128x128xf32>
    %get3A_124 = vector.shape_cast %get3A_123 : vector<1x128x128xf32> to vector<128x128xf32>
    %dot_general3A_125 = arith.constant dense<0.000000e+00> : vector<64x128xf32>
    %dot_general3A_126 = tpu.matmul %select_n3A_112, %get3A_124, %dot_general3A_125 {dimension_numbers = #tpu.dot_dimension_numbers<[1], [0], [0], [1], [0, 0, 1, 1], [], []>, transpose_lhs_hint = false} : vector<64x128xf32>, vector<128x128xf32>, vector<64x128xf32> -> vector<64x128xf32>
    %get3A_127 = arith.constant 1 : index
    %get3A_128 = arith.constant 0 : index
    %get3A_129 = arith.constant 0 : index
    %get3A_130 = vector.load %arg10[%get3A_127, %get3A_128, %get3A_129] : memref<3x128x128xf32, #tpu.memory_space<vmem>>, vector<1x128x128xf32>
    %get3A_131 = vector.shape_cast %get3A_130 : vector<1x128x128xf32> to vector<128x128xf32>
    %dot_general3A_132 = arith.constant dense<0.000000e+00> : vector<64x128xf32>
    %dot_general3A_133 = tpu.matmul %select_n3A_112, %get3A_131, %dot_general3A_132 {dimension_numbers = #tpu.dot_dimension_numbers<[1], [0], [0], [1], [0, 0, 1, 1], [], []>, transpose_lhs_hint = false} : vector<64x128xf32>, vector<128x128xf32>, vector<64x128xf32> -> vector<64x128xf32>
    %get3A_134 = arith.constant 1 : index
    %get3A_135 = arith.constant 0 : index
    %get3A_136 = arith.constant 0 : index
    %get3A_137 = vector.load %arg11[%get3A_134, %get3A_135, %get3A_136] : memref<3x128x128xf32, #tpu.memory_space<vmem>>, vector<1x128x128xf32>
    %get3A_138 = vector.shape_cast %get3A_137 : vector<1x128x128xf32> to vector<128x128xf32>
    %dot_general3A_139 = arith.constant dense<0.000000e+00> : vector<64x128xf32>
    %dot_general3A_140 = tpu.matmul %select_n3A_112, %get3A_138, %dot_general3A_139 {dimension_numbers = #tpu.dot_dimension_numbers<[1], [0], [0], [1], [0, 0, 1, 1], [], []>, transpose_lhs_hint = false} : vector<64x128xf32>, vector<128x128xf32>, vector<64x128xf32> -> vector<64x128xf32>
    %get3A_141 = arith.constant 1 : index
    %get3A_142 = arith.constant 0 : index
    %get3A_143 = arith.constant 0 : index
    %get3A_144 = vector.load %arg8[%get3A_141, %get3A_142, %get3A_143] : memref<3x128x128xf32, #tpu.memory_space<vmem>>, vector<1x128x128xf32>
    %get3A_145 = vector.shape_cast %get3A_144 : vector<1x128x128xf32> to vector<128x128xf32>
    %get3A_146 = arith.constant 1 : index
    %get3A_147 = arith.constant 0 : index
    %get3A_148 = arith.constant 0 : index
    %get3A_149 = vector.load %arg12[%get3A_146, %get3A_147, %get3A_148] : memref<3x128x128xf32, #tpu.memory_space<vmem>>, vector<1x128x128xf32>
    %get3A_150 = vector.shape_cast %get3A_149 : vector<1x128x128xf32> to vector<128x128xf32>
    %get3A_151 = arith.constant 1 : index
    %get3A_152 = arith.constant 0 : index
    %get3A_153 = arith.constant 0 : index
    %get3A_154 = vector.load %arg9[%get3A_151, %get3A_152, %get3A_153] : memref<3x1x128xf32, #tpu.memory_space<vmem>>, vector<1x1x128xf32>
    %get3A_155 = vector.shape_cast %get3A_154 : vector<1x1x128xf32> to vector<1x128xf32>
    %get3A_156 = arith.constant 1 : index
    %get3A_157 = arith.constant 0 : index
    %get3A_158 = arith.constant 0 : index
    %get3A_159 = vector.load %arg13[%get3A_156, %get3A_157, %get3A_158] : memref<3x1x128xf32, #tpu.memory_space<vmem>>, vector<1x1x128xf32>
    %get3A_160 = vector.shape_cast %get3A_159 : vector<1x1x128xf32> to vector<1x128xf32>
    %broadcast_in_dim3A_161 = arith.constant 0.000000e+00 : f32
    %broadcast_in_dim3A_162 = vector.broadcast %broadcast_in_dim3A_161 : f32 to vector<64x128xf32>
    %scan3A_163 = arith.constant 0 : i32
    %scan3A_164 = arith.constant 4 : i32
    %scan3A_165 = arith.addi %scan3A_163, %scan3A_164 : i32
    %scan3A_166 = arith.constant 1 : i32
    %scan3A_167 = scf.for %scan3A_268 = %scan3A_163 to %scan3A_165 step %scan3A_166 iter_args(%scan3A_269 = %broadcast_in_dim3A_162) -> (vector<64x128xf32>)  : i32 {
      %iota3A_270 = tpu.iota {dimensions = array<i32: 0>} : vector<2048x64xi32>
      %mul3A_271 = arith.constant 16 : i32
      %mul3A_272 = arith.muli %scan3A_268, %mul3A_271 : i32
      %shift_right_logical3A = arith.constant 7 : i32
      %shift_right_logical3A_273 = vector.broadcast %shift_right_logical3A : i32 to vector<2048x64xi32>
      %shift_right_logical3A_274 = arith.shrui %iota3A_270, %shift_right_logical3A_273 : vector<2048x64xi32>
      %add3A_275 = vector.broadcast %mul3A_272 : i32 to vector<2048x64xi32>
      %add3A_276 = arith.addi %add3A_275, %shift_right_logical3A_274 : vector<2048x64xi32>
      %iota3A_277 = tpu.iota {dimensions = array<i32: 1>} : vector<2048x64xi32>
      %eq3A_278 = arith.cmpi eq, %add3A_276, %iota3A_277 : vector<2048x64xi32>
      %convert_element_type3A_279 = arith.extui %eq3A_278 : vector<2048x64xi1> to vector<2048x64xi32>
      %convert_element_type3A_280 = arith.sitofp %convert_element_type3A_279 : vector<2048x64xi32> to vector<2048x64xf32>
      %dot_general3A_281 = arith.constant dense<0.000000e+00> : vector<2048x384xf32>
      %dot_general3A_282 = tpu.matmul %convert_element_type3A_280, %concatenate3A, %dot_general3A_281 {dimension_numbers = #tpu.dot_dimension_numbers<[1], [0], [0], [1], [0, 0, 1, 1], [], []>, precision = #tpu.contract_precision<fp32>, transpose_lhs_hint = false} : vector<2048x64xf32>, vector<64x384xf32>, vector<2048x384xf32> -> vector<2048x384xf32>
      %slice3A = vector.extract_strided_slice %dot_general3A_282 {offsets = [0, 0], sizes = [2048, 128], strides = [1, 1]} : vector<2048x384xf32> to vector<2048x128xf32>
      %mul3A_283 = arith.mulf %slice3A, %convert_element_type3A_45 : vector<2048x128xf32>
      %reduce_sum3A_284 = arith.constant dense<0.000000e+00> : vector<2048xf32>
      %reduce_sum3A_285 = vector.multi_reduction <add>, %mul3A_283, %reduce_sum3A_284 [1] : vector<2048x128xf32> to vector<2048xf32>
      %broadcast_in_dim3A_286 = vector.shape_cast %reduce_sum3A_285 : vector<2048xf32> to vector<2048x1xf32>
      %slice3A_287 = vector.extract_strided_slice %dot_general3A_282 {offsets = [0, 128], sizes = [2048, 128], strides = [1, 1]} : vector<2048x384xf32> to vector<2048x128xf32>
      %mul3A_288 = arith.mulf %slice3A_287, %convert_element_type3A_45 : vector<2048x128xf32>
      %reduce_sum3A_289 = arith.constant dense<0.000000e+00> : vector<2048xf32>
      %reduce_sum3A_290 = vector.multi_reduction <add>, %mul3A_288, %reduce_sum3A_289 [1] : vector<2048x128xf32> to vector<2048xf32>
      %broadcast_in_dim3A_291 = vector.shape_cast %reduce_sum3A_290 : vector<2048xf32> to vector<2048x1xf32>
      %slice3A_292 = vector.extract_strided_slice %dot_general3A_282 {offsets = [0, 256], sizes = [2048, 128], strides = [1, 1]} : vector<2048x384xf32> to vector<2048x128xf32>
      %mul3A_293 = arith.mulf %slice3A_292, %convert_element_type3A_45 : vector<2048x128xf32>
      %reduce_sum3A_294 = arith.constant dense<0.000000e+00> : vector<2048xf32>
      %reduce_sum3A_295 = vector.multi_reduction <add>, %mul3A_293, %reduce_sum3A_294 [1] : vector<2048x128xf32> to vector<2048xf32>
      %broadcast_in_dim3A_296 = vector.shape_cast %reduce_sum3A_295 : vector<2048xf32> to vector<2048x1xf32>
      %eq3A_297 = vector.broadcast %broadcast_in_dim3A_286 : vector<2048x1xf32> to vector<2048x64xf32>
      %eq3A_298 = arith.cmpf oeq, %eq3A_297, %convert_element_type3A_47 : vector<2048x64xf32>
      %convert_element_type3A_299 = arith.extui %eq3A_298 : vector<2048x64xi1> to vector<2048x64xi32>
      %convert_element_type3A_300 = arith.sitofp %convert_element_type3A_299 : vector<2048x64xi32> to vector<2048x64xf32>
      %sqrt3A_301 = math.sqrt %broadcast_in_dim3A_291 : vector<2048x1xf32>
      %sub3A_302 = vector.broadcast %sqrt3A_301 : vector<2048x1xf32> to vector<2048x128xf32>
      %sub3A_303 = vector.broadcast %mul3A_38 : vector<1x128xf32> to vector<2048x128xf32>
      %sub3A_304 = arith.subf %sub3A_302, %sub3A_303 : vector<2048x128xf32>
      %integer_pow3A = arith.mulf %sub3A_304, %sub3A_304 : vector<2048x128xf32>
      %mul3A_305 = arith.constant -33.3472214 : f32
      %mul3A_306 = vector.broadcast %mul3A_305 : f32 to vector<2048x128xf32>
      %mul3A_307 = arith.mulf %mul3A_306, %integer_pow3A : vector<2048x128xf32>
      %exp3A_308 = math.exp %mul3A_307 : vector<2048x128xf32>
      %dot_general3A_309 = arith.constant dense<0.000000e+00> : vector<2048x128xf32>
      %dot_general3A_310 = tpu.matmul %convert_element_type3A_280, %dot_general3A_119, %dot_general3A_309 {dimension_numbers = #tpu.dot_dimension_numbers<[1], [0], [0], [1], [0, 0, 1, 1], [], []>, precision = #tpu.contract_precision<fp32>, transpose_lhs_hint = false} : vector<2048x64xf32>, vector<64x128xf32>, vector<2048x128xf32> -> vector<2048x128xf32>
      %dot_general3A_311 = arith.constant dense<0.000000e+00> : vector<2048x128xf32>
      %dot_general3A_312 = tpu.matmul %convert_element_type3A_300, %dot_general3A_126, %dot_general3A_311 {dimension_numbers = #tpu.dot_dimension_numbers<[1], [0], [0], [1], [0, 0, 1, 1], [], []>, precision = #tpu.contract_precision<fp32>, transpose_lhs_hint = false} : vector<2048x64xf32>, vector<64x128xf32>, vector<2048x128xf32> -> vector<2048x128xf32>
      %add3A_313 = arith.addf %dot_general3A_310, %dot_general3A_312 : vector<2048x128xf32>
      %dot_general3A_314 = arith.constant dense<0.000000e+00> : vector<2048x128xf32>
      %dot_general3A_315 = tpu.matmul %exp3A_308, %get3A_145, %dot_general3A_314 {dimension_numbers = #tpu.dot_dimension_numbers<[1], [0], [0], [1], [0, 0, 1, 1], [], []>, transpose_lhs_hint = false} : vector<2048x128xf32>, vector<128x128xf32>, vector<2048x128xf32> -> vector<2048x128xf32>
      %add3A_316 = arith.addf %add3A_313, %dot_general3A_315 : vector<2048x128xf32>
      %add3A_317 = vector.broadcast %get3A_155 : vector<1x128xf32> to vector<2048x128xf32>
      %add3A_318 = arith.addf %add3A_316, %add3A_317 : vector<2048x128xf32>
      %dot_general3A_319 = arith.constant dense<0.000000e+00> : vector<2048x128xf32>
      %dot_general3A_320 = tpu.matmul %convert_element_type3A_280, %dot_general3A_133, %dot_general3A_319 {dimension_numbers = #tpu.dot_dimension_numbers<[1], [0], [0], [1], [0, 0, 1, 1], [], []>, precision = #tpu.contract_precision<fp32>, transpose_lhs_hint = false} : vector<2048x64xf32>, vector<64x128xf32>, vector<2048x128xf32> -> vector<2048x128xf32>
      %dot_general3A_321 = arith.constant dense<0.000000e+00> : vector<2048x128xf32>
      %dot_general3A_322 = tpu.matmul %convert_element_type3A_300, %dot_general3A_140, %dot_general3A_321 {dimension_numbers = #tpu.dot_dimension_numbers<[1], [0], [0], [1], [0, 0, 1, 1], [], []>, precision = #tpu.contract_precision<fp32>, transpose_lhs_hint = false} : vector<2048x64xf32>, vector<64x128xf32>, vector<2048x128xf32> -> vector<2048x128xf32>
      %add3A_323 = arith.addf %dot_general3A_320, %dot_general3A_322 : vector<2048x128xf32>
      %dot_general3A_324 = arith.constant dense<0.000000e+00> : vector<2048x128xf32>
      %dot_general3A_325 = tpu.matmul %exp3A_308, %get3A_150, %dot_general3A_324 {dimension_numbers = #tpu.dot_dimension_numbers<[1], [0], [0], [1], [0, 0, 1, 1], [], []>, transpose_lhs_hint = false} : vector<2048x128xf32>, vector<128x128xf32>, vector<2048x128xf32> -> vector<2048x128xf32>
      %add3A_326 = arith.addf %add3A_323, %dot_general3A_325 : vector<2048x128xf32>
      %add3A_327 = vector.broadcast %get3A_160 : vector<1x128xf32> to vector<2048x128xf32>
      %add3A_328 = arith.addf %add3A_326, %add3A_327 : vector<2048x128xf32>
      %logistic3A = arith.negf %add3A_318 : vector<2048x128xf32>
      %logistic3A_329 = math.exp %logistic3A : vector<2048x128xf32>
      %logistic3A_330 = arith.constant 1.000000e+00 : f32
      %logistic3A_331 = vector.broadcast %logistic3A_330 : f32 to vector<2048x128xf32>
      %logistic3A_332 = arith.addf %logistic3A_331, %logistic3A_329 : vector<2048x128xf32>
      %logistic3A_333 = arith.divf %logistic3A_331, %logistic3A_332 : vector<2048x128xf32>
      %custom_jvp_call3A_334 = arith.constant 0.000000e+00 : f32
      %max3A_335 = vector.broadcast %custom_jvp_call3A_334 : f32 to vector<2048x128xf32>
      %max3A_336 = arith.maximumf %add3A_328, %max3A_335 : vector<2048x128xf32>
      %sub3A_337 = vector.broadcast %custom_jvp_call3A_334 : f32 to vector<2048x128xf32>
      %sub3A_338 = arith.subf %add3A_328, %sub3A_337 : vector<2048x128xf32>
      %ne3A_339 = arith.cmpf one, %sub3A_338, %sub3A_338 : vector<2048x128xf32>
      %add3A_340 = vector.broadcast %custom_jvp_call3A_334 : f32 to vector<2048x128xf32>
      %add3A_341 = arith.addf %add3A_328, %add3A_340 : vector<2048x128xf32>
      %abs3A_342 = math.absf %sub3A_338 : vector<2048x128xf32>
      %neg3A_343 = arith.constant 0.000000e+00 : f32
      %neg3A_344 = vector.broadcast %neg3A_343 : f32 to vector<2048x128xf32>
      %neg3A_345 = arith.subf %neg3A_344, %abs3A_342 : vector<2048x128xf32>
      %exp3A_346 = math.exp %neg3A_345 : vector<2048x128xf32>
      %log1p3A_347 = math.log1p %exp3A_346 : vector<2048x128xf32>
      %add3A_348 = arith.addf %max3A_336, %log1p3A_347 : vector<2048x128xf32>
      %select_n3A_349 = arith.select %ne3A_339, %add3A_341, %add3A_348 : vector<2048x128xi1>, vector<2048x128xf32>
      %mul3A_350 = arith.mulf %logistic3A_333, %select_n3A_349 : vector<2048x128xf32>
      %mul3A_351 = vector.broadcast %broadcast_in_dim3A_296 : vector<2048x1xf32> to vector<2048x128xf32>
      %mul3A_352 = arith.mulf %mul3A_350, %mul3A_351 : vector<2048x128xf32>
      %dot_general3A_353 = arith.constant dense<0.000000e+00> : vector<64x128xf32>
      %dot_general3A_354 = tpu.matmul %convert_element_type3A_280, %mul3A_352, %dot_general3A_353 {dimension_numbers = #tpu.dot_dimension_numbers<[0], [0], [1], [1], [0, 1, 1, 1], [], []>, precision = #tpu.contract_precision<fp32>, transpose_lhs_hint = false} : vector<2048x64xf32>, vector<2048x128xf32>, vector<64x128xf32> -> vector<64x128xf32>
      %add3A_355 = arith.addf %scan3A_269, %dot_general3A_354 : vector<64x128xf32>
      scf.yield %add3A_355 : vector<64x128xf32>
    }
    %scan3A_168 = arith.constant 4 : i32
    %add3A_169 = arith.addf %select_n3A_112, %scan3A_167 : vector<64x128xf32>
    %custom_jvp_call3A_170 = arith.constant 0.000000e+00 : f32
    %max3A_171 = vector.broadcast %custom_jvp_call3A_170 : f32 to vector<64x128xf32>
    %max3A_172 = arith.maximumf %add3A_169, %max3A_171 : vector<64x128xf32>
    %sub3A_173 = vector.broadcast %custom_jvp_call3A_170 : f32 to vector<64x128xf32>
    %sub3A_174 = arith.subf %add3A_169, %sub3A_173 : vector<64x128xf32>
    %ne3A_175 = arith.cmpf one, %sub3A_174, %sub3A_174 : vector<64x128xf32>
    %add3A_176 = vector.broadcast %custom_jvp_call3A_170 : f32 to vector<64x128xf32>
    %add3A_177 = arith.addf %add3A_169, %add3A_176 : vector<64x128xf32>
    %abs3A_178 = math.absf %sub3A_174 : vector<64x128xf32>
    %neg3A_179 = arith.constant 0.000000e+00 : f32
    %neg3A_180 = vector.broadcast %neg3A_179 : f32 to vector<64x128xf32>
    %neg3A_181 = arith.subf %neg3A_180, %abs3A_178 : vector<64x128xf32>
    %exp3A_182 = math.exp %neg3A_181 : vector<64x128xf32>
    %log1p3A_183 = math.log1p %exp3A_182 : vector<64x128xf32>
    %add3A_184 = arith.addf %max3A_172, %log1p3A_183 : vector<64x128xf32>
    %select_n3A_185 = arith.select %ne3A_175, %add3A_177, %add3A_184 : vector<64x128xi1>, vector<64x128xf32>
    %get3A_186 = arith.constant 2 : index
    %get3A_187 = arith.constant 0 : index
    %get3A_188 = arith.constant 0 : index
    %get3A_189 = vector.load %arg6[%get3A_186, %get3A_187, %get3A_188] : memref<3x128x128xf32, #tpu.memory_space<vmem>>, vector<1x128x128xf32>
    %get3A_190 = vector.shape_cast %get3A_189 : vector<1x128x128xf32> to vector<128x128xf32>
    %dot_general3A_191 = arith.constant dense<0.000000e+00> : vector<64x128xf32>
    %dot_general3A_192 = tpu.matmul %select_n3A_185, %get3A_190, %dot_general3A_191 {dimension_numbers = #tpu.dot_dimension_numbers<[1], [0], [0], [1], [0, 0, 1, 1], [], []>, transpose_lhs_hint = false} : vector<64x128xf32>, vector<128x128xf32>, vector<64x128xf32> -> vector<64x128xf32>
    %get3A_193 = arith.constant 2 : index
    %get3A_194 = arith.constant 0 : index
    %get3A_195 = arith.constant 0 : index
    %get3A_196 = vector.load %arg7[%get3A_193, %get3A_194, %get3A_195] : memref<3x128x128xf32, #tpu.memory_space<vmem>>, vector<1x128x128xf32>
    %get3A_197 = vector.shape_cast %get3A_196 : vector<1x128x128xf32> to vector<128x128xf32>
    %dot_general3A_198 = arith.constant dense<0.000000e+00> : vector<64x128xf32>
    %dot_general3A_199 = tpu.matmul %select_n3A_185, %get3A_197, %dot_general3A_198 {dimension_numbers = #tpu.dot_dimension_numbers<[1], [0], [0], [1], [0, 0, 1, 1], [], []>, transpose_lhs_hint = false} : vector<64x128xf32>, vector<128x128xf32>, vector<64x128xf32> -> vector<64x128xf32>
    %get3A_200 = arith.constant 2 : index
    %get3A_201 = arith.constant 0 : index
    %get3A_202 = arith.constant 0 : index
    %get3A_203 = vector.load %arg10[%get3A_200, %get3A_201, %get3A_202] : memref<3x128x128xf32, #tpu.memory_space<vmem>>, vector<1x128x128xf32>
    %get3A_204 = vector.shape_cast %get3A_203 : vector<1x128x128xf32> to vector<128x128xf32>
    %dot_general3A_205 = arith.constant dense<0.000000e+00> : vector<64x128xf32>
    %dot_general3A_206 = tpu.matmul %select_n3A_185, %get3A_204, %dot_general3A_205 {dimension_numbers = #tpu.dot_dimension_numbers<[1], [0], [0], [1], [0, 0, 1, 1], [], []>, transpose_lhs_hint = false} : vector<64x128xf32>, vector<128x128xf32>, vector<64x128xf32> -> vector<64x128xf32>
    %get3A_207 = arith.constant 2 : index
    %get3A_208 = arith.constant 0 : index
    %get3A_209 = arith.constant 0 : index
    %get3A_210 = vector.load %arg11[%get3A_207, %get3A_208, %get3A_209] : memref<3x128x128xf32, #tpu.memory_space<vmem>>, vector<1x128x128xf32>
    %get3A_211 = vector.shape_cast %get3A_210 : vector<1x128x128xf32> to vector<128x128xf32>
    %dot_general3A_212 = arith.constant dense<0.000000e+00> : vector<64x128xf32>
    %dot_general3A_213 = tpu.matmul %select_n3A_185, %get3A_211, %dot_general3A_212 {dimension_numbers = #tpu.dot_dimension_numbers<[1], [0], [0], [1], [0, 0, 1, 1], [], []>, transpose_lhs_hint = false} : vector<64x128xf32>, vector<128x128xf32>, vector<64x128xf32> -> vector<64x128xf32>
    %get3A_214 = arith.constant 2 : index
    %get3A_215 = arith.constant 0 : index
    %get3A_216 = arith.constant 0 : index
    %get3A_217 = vector.load %arg8[%get3A_214, %get3A_215, %get3A_216] : memref<3x128x128xf32, #tpu.memory_space<vmem>>, vector<1x128x128xf32>
    %get3A_218 = vector.shape_cast %get3A_217 : vector<1x128x128xf32> to vector<128x128xf32>
    %get3A_219 = arith.constant 2 : index
    %get3A_220 = arith.constant 0 : index
    %get3A_221 = arith.constant 0 : index
    %get3A_222 = vector.load %arg12[%get3A_219, %get3A_220, %get3A_221] : memref<3x128x128xf32, #tpu.memory_space<vmem>>, vector<1x128x128xf32>
    %get3A_223 = vector.shape_cast %get3A_222 : vector<1x128x128xf32> to vector<128x128xf32>
    %get3A_224 = arith.constant 2 : index
    %get3A_225 = arith.constant 0 : index
    %get3A_226 = arith.constant 0 : index
    %get3A_227 = vector.load %arg9[%get3A_224, %get3A_225, %get3A_226] : memref<3x1x128xf32, #tpu.memory_space<vmem>>, vector<1x1x128xf32>
    %get3A_228 = vector.shape_cast %get3A_227 : vector<1x1x128xf32> to vector<1x128xf32>
    %get3A_229 = arith.constant 2 : index
    %get3A_230 = arith.constant 0 : index
    %get3A_231 = arith.constant 0 : index
    %get3A_232 = vector.load %arg13[%get3A_229, %get3A_230, %get3A_231] : memref<3x1x128xf32, #tpu.memory_space<vmem>>, vector<1x1x128xf32>
    %get3A_233 = vector.shape_cast %get3A_232 : vector<1x1x128xf32> to vector<1x128xf32>
    %broadcast_in_dim3A_234 = arith.constant 0.000000e+00 : f32
    %broadcast_in_dim3A_235 = vector.broadcast %broadcast_in_dim3A_234 : f32 to vector<64x128xf32>
    %scan3A_236 = arith.constant 0 : i32
    %scan3A_237 = arith.constant 4 : i32
    %scan3A_238 = arith.addi %scan3A_236, %scan3A_237 : i32
    %scan3A_239 = arith.constant 1 : i32
    %scan3A_240 = scf.for %scan3A_268 = %scan3A_236 to %scan3A_238 step %scan3A_239 iter_args(%scan3A_269 = %broadcast_in_dim3A_235) -> (vector<64x128xf32>)  : i32 {
      %iota3A_270 = tpu.iota {dimensions = array<i32: 0>} : vector<2048x64xi32>
      %mul3A_271 = arith.constant 16 : i32
      %mul3A_272 = arith.muli %scan3A_268, %mul3A_271 : i32
      %shift_right_logical3A = arith.constant 7 : i32
      %shift_right_logical3A_273 = vector.broadcast %shift_right_logical3A : i32 to vector<2048x64xi32>
      %shift_right_logical3A_274 = arith.shrui %iota3A_270, %shift_right_logical3A_273 : vector<2048x64xi32>
      %add3A_275 = vector.broadcast %mul3A_272 : i32 to vector<2048x64xi32>
      %add3A_276 = arith.addi %add3A_275, %shift_right_logical3A_274 : vector<2048x64xi32>
      %iota3A_277 = tpu.iota {dimensions = array<i32: 1>} : vector<2048x64xi32>
      %eq3A_278 = arith.cmpi eq, %add3A_276, %iota3A_277 : vector<2048x64xi32>
      %convert_element_type3A_279 = arith.extui %eq3A_278 : vector<2048x64xi1> to vector<2048x64xi32>
      %convert_element_type3A_280 = arith.sitofp %convert_element_type3A_279 : vector<2048x64xi32> to vector<2048x64xf32>
      %dot_general3A_281 = arith.constant dense<0.000000e+00> : vector<2048x384xf32>
      %dot_general3A_282 = tpu.matmul %convert_element_type3A_280, %concatenate3A, %dot_general3A_281 {dimension_numbers = #tpu.dot_dimension_numbers<[1], [0], [0], [1], [0, 0, 1, 1], [], []>, precision = #tpu.contract_precision<fp32>, transpose_lhs_hint = false} : vector<2048x64xf32>, vector<64x384xf32>, vector<2048x384xf32> -> vector<2048x384xf32>
      %slice3A = vector.extract_strided_slice %dot_general3A_282 {offsets = [0, 0], sizes = [2048, 128], strides = [1, 1]} : vector<2048x384xf32> to vector<2048x128xf32>
      %mul3A_283 = arith.mulf %slice3A, %convert_element_type3A_45 : vector<2048x128xf32>
      %reduce_sum3A_284 = arith.constant dense<0.000000e+00> : vector<2048xf32>
      %reduce_sum3A_285 = vector.multi_reduction <add>, %mul3A_283, %reduce_sum3A_284 [1] : vector<2048x128xf32> to vector<2048xf32>
      %broadcast_in_dim3A_286 = vector.shape_cast %reduce_sum3A_285 : vector<2048xf32> to vector<2048x1xf32>
      %slice3A_287 = vector.extract_strided_slice %dot_general3A_282 {offsets = [0, 128], sizes = [2048, 128], strides = [1, 1]} : vector<2048x384xf32> to vector<2048x128xf32>
      %mul3A_288 = arith.mulf %slice3A_287, %convert_element_type3A_45 : vector<2048x128xf32>
      %reduce_sum3A_289 = arith.constant dense<0.000000e+00> : vector<2048xf32>
      %reduce_sum3A_290 = vector.multi_reduction <add>, %mul3A_288, %reduce_sum3A_289 [1] : vector<2048x128xf32> to vector<2048xf32>
      %broadcast_in_dim3A_291 = vector.shape_cast %reduce_sum3A_290 : vector<2048xf32> to vector<2048x1xf32>
      %slice3A_292 = vector.extract_strided_slice %dot_general3A_282 {offsets = [0, 256], sizes = [2048, 128], strides = [1, 1]} : vector<2048x384xf32> to vector<2048x128xf32>
      %mul3A_293 = arith.mulf %slice3A_292, %convert_element_type3A_45 : vector<2048x128xf32>
      %reduce_sum3A_294 = arith.constant dense<0.000000e+00> : vector<2048xf32>
      %reduce_sum3A_295 = vector.multi_reduction <add>, %mul3A_293, %reduce_sum3A_294 [1] : vector<2048x128xf32> to vector<2048xf32>
      %broadcast_in_dim3A_296 = vector.shape_cast %reduce_sum3A_295 : vector<2048xf32> to vector<2048x1xf32>
      %eq3A_297 = vector.broadcast %broadcast_in_dim3A_286 : vector<2048x1xf32> to vector<2048x64xf32>
      %eq3A_298 = arith.cmpf oeq, %eq3A_297, %convert_element_type3A_47 : vector<2048x64xf32>
      %convert_element_type3A_299 = arith.extui %eq3A_298 : vector<2048x64xi1> to vector<2048x64xi32>
      %convert_element_type3A_300 = arith.sitofp %convert_element_type3A_299 : vector<2048x64xi32> to vector<2048x64xf32>
      %sqrt3A_301 = math.sqrt %broadcast_in_dim3A_291 : vector<2048x1xf32>
      %sub3A_302 = vector.broadcast %sqrt3A_301 : vector<2048x1xf32> to vector<2048x128xf32>
      %sub3A_303 = vector.broadcast %mul3A_38 : vector<1x128xf32> to vector<2048x128xf32>
      %sub3A_304 = arith.subf %sub3A_302, %sub3A_303 : vector<2048x128xf32>
      %integer_pow3A = arith.mulf %sub3A_304, %sub3A_304 : vector<2048x128xf32>
      %mul3A_305 = arith.constant -33.3472214 : f32
      %mul3A_306 = vector.broadcast %mul3A_305 : f32 to vector<2048x128xf32>
      %mul3A_307 = arith.mulf %mul3A_306, %integer_pow3A : vector<2048x128xf32>
      %exp3A_308 = math.exp %mul3A_307 : vector<2048x128xf32>
      %dot_general3A_309 = arith.constant dense<0.000000e+00> : vector<2048x128xf32>
      %dot_general3A_310 = tpu.matmul %convert_element_type3A_280, %dot_general3A_192, %dot_general3A_309 {dimension_numbers = #tpu.dot_dimension_numbers<[1], [0], [0], [1], [0, 0, 1, 1], [], []>, precision = #tpu.contract_precision<fp32>, transpose_lhs_hint = false} : vector<2048x64xf32>, vector<64x128xf32>, vector<2048x128xf32> -> vector<2048x128xf32>
      %dot_general3A_311 = arith.constant dense<0.000000e+00> : vector<2048x128xf32>
      %dot_general3A_312 = tpu.matmul %convert_element_type3A_300, %dot_general3A_199, %dot_general3A_311 {dimension_numbers = #tpu.dot_dimension_numbers<[1], [0], [0], [1], [0, 0, 1, 1], [], []>, precision = #tpu.contract_precision<fp32>, transpose_lhs_hint = false} : vector<2048x64xf32>, vector<64x128xf32>, vector<2048x128xf32> -> vector<2048x128xf32>
      %add3A_313 = arith.addf %dot_general3A_310, %dot_general3A_312 : vector<2048x128xf32>
      %dot_general3A_314 = arith.constant dense<0.000000e+00> : vector<2048x128xf32>
      %dot_general3A_315 = tpu.matmul %exp3A_308, %get3A_218, %dot_general3A_314 {dimension_numbers = #tpu.dot_dimension_numbers<[1], [0], [0], [1], [0, 0, 1, 1], [], []>, transpose_lhs_hint = false} : vector<2048x128xf32>, vector<128x128xf32>, vector<2048x128xf32> -> vector<2048x128xf32>
      %add3A_316 = arith.addf %add3A_313, %dot_general3A_315 : vector<2048x128xf32>
      %add3A_317 = vector.broadcast %get3A_228 : vector<1x128xf32> to vector<2048x128xf32>
      %add3A_318 = arith.addf %add3A_316, %add3A_317 : vector<2048x128xf32>
      %dot_general3A_319 = arith.constant dense<0.000000e+00> : vector<2048x128xf32>
      %dot_general3A_320 = tpu.matmul %convert_element_type3A_280, %dot_general3A_206, %dot_general3A_319 {dimension_numbers = #tpu.dot_dimension_numbers<[1], [0], [0], [1], [0, 0, 1, 1], [], []>, precision = #tpu.contract_precision<fp32>, transpose_lhs_hint = false} : vector<2048x64xf32>, vector<64x128xf32>, vector<2048x128xf32> -> vector<2048x128xf32>
      %dot_general3A_321 = arith.constant dense<0.000000e+00> : vector<2048x128xf32>
      %dot_general3A_322 = tpu.matmul %convert_element_type3A_300, %dot_general3A_213, %dot_general3A_321 {dimension_numbers = #tpu.dot_dimension_numbers<[1], [0], [0], [1], [0, 0, 1, 1], [], []>, precision = #tpu.contract_precision<fp32>, transpose_lhs_hint = false} : vector<2048x64xf32>, vector<64x128xf32>, vector<2048x128xf32> -> vector<2048x128xf32>
      %add3A_323 = arith.addf %dot_general3A_320, %dot_general3A_322 : vector<2048x128xf32>
      %dot_general3A_324 = arith.constant dense<0.000000e+00> : vector<2048x128xf32>
      %dot_general3A_325 = tpu.matmul %exp3A_308, %get3A_223, %dot_general3A_324 {dimension_numbers = #tpu.dot_dimension_numbers<[1], [0], [0], [1], [0, 0, 1, 1], [], []>, transpose_lhs_hint = false} : vector<2048x128xf32>, vector<128x128xf32>, vector<2048x128xf32> -> vector<2048x128xf32>
      %add3A_326 = arith.addf %add3A_323, %dot_general3A_325 : vector<2048x128xf32>
      %add3A_327 = vector.broadcast %get3A_233 : vector<1x128xf32> to vector<2048x128xf32>
      %add3A_328 = arith.addf %add3A_326, %add3A_327 : vector<2048x128xf32>
      %logistic3A = arith.negf %add3A_318 : vector<2048x128xf32>
      %logistic3A_329 = math.exp %logistic3A : vector<2048x128xf32>
      %logistic3A_330 = arith.constant 1.000000e+00 : f32
      %logistic3A_331 = vector.broadcast %logistic3A_330 : f32 to vector<2048x128xf32>
      %logistic3A_332 = arith.addf %logistic3A_331, %logistic3A_329 : vector<2048x128xf32>
      %logistic3A_333 = arith.divf %logistic3A_331, %logistic3A_332 : vector<2048x128xf32>
      %custom_jvp_call3A_334 = arith.constant 0.000000e+00 : f32
      %max3A_335 = vector.broadcast %custom_jvp_call3A_334 : f32 to vector<2048x128xf32>
      %max3A_336 = arith.maximumf %add3A_328, %max3A_335 : vector<2048x128xf32>
      %sub3A_337 = vector.broadcast %custom_jvp_call3A_334 : f32 to vector<2048x128xf32>
      %sub3A_338 = arith.subf %add3A_328, %sub3A_337 : vector<2048x128xf32>
      %ne3A_339 = arith.cmpf one, %sub3A_338, %sub3A_338 : vector<2048x128xf32>
      %add3A_340 = vector.broadcast %custom_jvp_call3A_334 : f32 to vector<2048x128xf32>
      %add3A_341 = arith.addf %add3A_328, %add3A_340 : vector<2048x128xf32>
      %abs3A_342 = math.absf %sub3A_338 : vector<2048x128xf32>
      %neg3A_343 = arith.constant 0.000000e+00 : f32
      %neg3A_344 = vector.broadcast %neg3A_343 : f32 to vector<2048x128xf32>
      %neg3A_345 = arith.subf %neg3A_344, %abs3A_342 : vector<2048x128xf32>
      %exp3A_346 = math.exp %neg3A_345 : vector<2048x128xf32>
      %log1p3A_347 = math.log1p %exp3A_346 : vector<2048x128xf32>
      %add3A_348 = arith.addf %max3A_336, %log1p3A_347 : vector<2048x128xf32>
      %select_n3A_349 = arith.select %ne3A_339, %add3A_341, %add3A_348 : vector<2048x128xi1>, vector<2048x128xf32>
      %mul3A_350 = arith.mulf %logistic3A_333, %select_n3A_349 : vector<2048x128xf32>
      %mul3A_351 = vector.broadcast %broadcast_in_dim3A_296 : vector<2048x1xf32> to vector<2048x128xf32>
      %mul3A_352 = arith.mulf %mul3A_350, %mul3A_351 : vector<2048x128xf32>
      %dot_general3A_353 = arith.constant dense<0.000000e+00> : vector<64x128xf32>
      %dot_general3A_354 = tpu.matmul %convert_element_type3A_280, %mul3A_352, %dot_general3A_353 {dimension_numbers = #tpu.dot_dimension_numbers<[0], [0], [1], [1], [0, 1, 1, 1], [], []>, precision = #tpu.contract_precision<fp32>, transpose_lhs_hint = false} : vector<2048x64xf32>, vector<2048x128xf32>, vector<64x128xf32> -> vector<64x128xf32>
      %add3A_355 = arith.addf %scan3A_269, %dot_general3A_354 : vector<64x128xf32>
      scf.yield %add3A_355 : vector<64x128xf32>
    }
    %scan3A_241 = arith.constant 4 : i32
    %add3A_242 = arith.addf %select_n3A_185, %scan3A_240 : vector<64x128xf32>
    %custom_jvp_call3A_243 = arith.constant 0.000000e+00 : f32
    %max3A_244 = vector.broadcast %custom_jvp_call3A_243 : f32 to vector<64x128xf32>
    %max3A_245 = arith.maximumf %add3A_242, %max3A_244 : vector<64x128xf32>
    %sub3A_246 = vector.broadcast %custom_jvp_call3A_243 : f32 to vector<64x128xf32>
    %sub3A_247 = arith.subf %add3A_242, %sub3A_246 : vector<64x128xf32>
    %ne3A_248 = arith.cmpf one, %sub3A_247, %sub3A_247 : vector<64x128xf32>
    %add3A_249 = vector.broadcast %custom_jvp_call3A_243 : f32 to vector<64x128xf32>
    %add3A_250 = arith.addf %add3A_242, %add3A_249 : vector<64x128xf32>
    %abs3A_251 = math.absf %sub3A_247 : vector<64x128xf32>
    %neg3A_252 = arith.constant 0.000000e+00 : f32
    %neg3A_253 = vector.broadcast %neg3A_252 : f32 to vector<64x128xf32>
    %neg3A_254 = arith.subf %neg3A_253, %abs3A_251 : vector<64x128xf32>
    %exp3A_255 = math.exp %neg3A_254 : vector<64x128xf32>
    %log1p3A_256 = math.log1p %exp3A_255 : vector<64x128xf32>
    %add3A_257 = arith.addf %max3A_245, %log1p3A_256 : vector<64x128xf32>
    %select_n3A_258 = arith.select %ne3A_248, %add3A_250, %add3A_257 : vector<64x128xi1>, vector<64x128xf32>
    %reduce_sum3A = arith.constant dense<0.000000e+00> : vector<128xf32>
    %reduce_sum3A_259 = vector.multi_reduction <add>, %select_n3A_258, %reduce_sum3A [0] : vector<64x128xf32> to vector<128xf32>
    %div3A_260 = arith.constant 6.400000e+01 : f32
    %div3A_261 = vector.broadcast %div3A_260 : f32 to vector<128xf32>
    %div3A_262 = arith.divf %reduce_sum3A_259, %div3A_261 : vector<128xf32>
    %swap3A = arith.constant 0 : index
    %swap3A_263 = arith.constant 0 : index
    %swap3A_264 = arith.constant 0 : index
    %swap3A_265 = vector.load %arg14[%swap3A, %swap3A_263, %swap3A_264] : memref<1x1x128xf32, #tpu.memory_space<vmem>>, vector<1x1x128xf32>
    %swap3A_266 = vector.shape_cast %swap3A_265 : vector<1x1x128xf32> to vector<128xf32>
    %swap3A_267 = vector.shape_cast %div3A_262 : vector<128xf32> to vector<1x1x128xf32>
    tpu.vector_store %arg14[%swap3A, %swap3A_263, %swap3A_264], %swap3A_267 {strides = array<i32>} : memref<1x1x128xf32, #tpu.memory_space<vmem>>, vector<1x1x128xf32>,
    return
  }
  func.func @transform_0(%arg0: i32) -> (i32, i32, i32) {
    %c0_i32 = arith.constant 0 : i32
    %c0_i32_0 = arith.constant 0 : i32
    %c0_i32_1 = arith.constant 0 : i32
    return %arg0, %c0_i32, %c0_i32_0 : i32, i32, i32
  }
  func.func @transform_1(%arg0: i32) -> (i32, i32, i32) {
    %c0_i32 = arith.constant 0 : i32
    %c0_i32_0 = arith.constant 0 : i32
    %c0_i32_1 = arith.constant 0 : i32
    return %arg0, %c0_i32, %c0_i32_0 : i32, i32, i32
  }
  func.func @transform_2(%arg0: i32) -> (i32, i32, i32) {
    %c0_i32 = arith.constant 0 : i32
    %c0_i32_0 = arith.constant 0 : i32
    %c0_i32_1 = arith.constant 0 : i32
    return %arg0, %c0_i32, %c0_i32_0 : i32, i32, i32
  }
  func.func @transform_3(%arg0: i32) -> (i32, i32, i32) {
    %c0_i32 = arith.constant 0 : i32
    %c0_i32_0 = arith.constant 0 : i32
    %c0_i32_1 = arith.constant 0 : i32
    return %arg0, %c0_i32, %c0_i32_0 : i32, i32, i32
  }
  func.func @transform_4(%arg0: i32) -> (i32, i32) {
    %c0_i32 = arith.constant 0 : i32
    %c0_i32_0 = arith.constant 0 : i32
    %c0_i32_1 = arith.constant 0 : i32
    return %c0_i32, %c0_i32_0 : i32, i32
  }
  func.func @transform_5(%arg0: i32) -> (i32, i32, i32) {
    %c0_i32 = arith.constant 0 : i32
    %c0_i32_0 = arith.constant 0 : i32
    %c0_i32_1 = arith.constant 0 : i32
    %c0_i32_2 = arith.constant 0 : i32
    return %c0_i32, %c0_i32_0, %c0_i32_1 : i32, i32, i32
  }
  func.func @transform_6(%arg0: i32) -> (i32, i32, i32) {
    %c0_i32 = arith.constant 0 : i32
    %c0_i32_0 = arith.constant 0 : i32
    %c0_i32_1 = arith.constant 0 : i32
    %c0_i32_2 = arith.constant 0 : i32
    return %c0_i32, %c0_i32_0, %c0_i32_1 : i32, i32, i32
  }
  func.func @transform_7(%arg0: i32) -> (i32, i32, i32) {
    %c0_i32 = arith.constant 0 : i32
    %c0_i32_0 = arith.constant 0 : i32
    %c0_i32_1 = arith.constant 0 : i32
    %c0_i32_2 = arith.constant 0 : i32
    return %c0_i32, %c0_i32_0, %c0_i32_1 : i32, i32, i32
  }
  func.func @transform_8(%arg0: i32) -> (i32, i32, i32) {
    %c0_i32 = arith.constant 0 : i32
    %c0_i32_0 = arith.constant 0 : i32
    %c0_i32_1 = arith.constant 0 : i32
    %c0_i32_2 = arith.constant 0 : i32
    return %c0_i32, %c0_i32_0, %c0_i32_1 : i32, i32, i32
  }
  func.func @transform_9(%arg0: i32) -> (i32, i32, i32) {
    %c0_i32 = arith.constant 0 : i32
    %c0_i32_0 = arith.constant 0 : i32
    %c0_i32_1 = arith.constant 0 : i32
    %c0_i32_2 = arith.constant 0 : i32
    return %c0_i32, %c0_i32_0, %c0_i32_1 : i32, i32, i32
  }
  func.func @transform_10(%arg0: i32) -> (i32, i32, i32) {
    %c0_i32 = arith.constant 0 : i32
    %c0_i32_0 = arith.constant 0 : i32
    %c0_i32_1 = arith.constant 0 : i32
    %c0_i32_2 = arith.constant 0 : i32
    return %c0_i32, %c0_i32_0, %c0_i32_1 : i32, i32, i32
  }
  func.func @transform_11(%arg0: i32) -> (i32, i32, i32) {
    %c0_i32 = arith.constant 0 : i32
    %c0_i32_0 = arith.constant 0 : i32
    %c0_i32_1 = arith.constant 0 : i32
    %c0_i32_2 = arith.constant 0 : i32
    return %c0_i32, %c0_i32_0, %c0_i32_1 : i32, i32, i32
  }
  func.func @transform_12(%arg0: i32) -> (i32, i32, i32) {
    %c0_i32 = arith.constant 0 : i32
    %c0_i32_0 = arith.constant 0 : i32
    %c0_i32_1 = arith.constant 0 : i32
    %c0_i32_2 = arith.constant 0 : i32
    return %c0_i32, %c0_i32_0, %c0_i32_1 : i32, i32, i32
  }
  func.func @transform_13(%arg0: i32) -> (i32, i32, i32) {
    %c0_i32 = arith.constant 0 : i32
    %c0_i32_0 = arith.constant 0 : i32
    %c0_i32_1 = arith.constant 0 : i32
    return %arg0, %c0_i32, %c0_i32_0 : i32, i32, i32
  }
}

</mosaic_0001>

<sc_bundles>
// kernel: kernel.6.cloned.1.call-start
scs
__scs_entry_jumppad:
0x0: {  	(pc) =	sbr.rel $0x88, $3  }
0x1: {  	(tag) =	ssettag $0x0;
	lr =	simm.s32 $0x1  }
0x2: {  	[smem:$0x3F94] =	sst lr;
	_ =	strace $0xD0000000  }
0x3: {  	_ = 	snop  }
0x4: {  	_ = 	snop  }
0x5: {  	_ = 	snop  }
0x6: {  	_ = 	snop  }
0x7: {  	_ = 	snop  }
__scs_overlays_trampoline_lowered:
0x8: {  	[smem:$0x3FA3] =	sst s0  }
0x9: {  	[smem:$0x3FA4] =	sst s1  }
0xa: {  	[smem:$0x3FA5] =	sst s2  }
0xb: {  	[smem:$0x3FA6] =	sst s3  }
0xc: {  	[smem:$0x3FA7] =	sst s4  }
0xd: {  	[smem:$0x3FA8] =	sst s5  }
0xe: {  	[smem:$0x3FA9] =	sst s6  }
0xf: {  	[smem:$0x3FAA] =	sst s7  }
0x10: {  	[smem:$0x3FAB] =	sst s8  }
0x11: {  	[smem:$0x3FAC] =	sst s9;
	s0 =	simm.s32 @!p0 $0x0  }
0x12: {  	s1 =	sld [smem:$0x3F92];
	s0 =	simm.s32 @p0 $0x1  }
0x13: {  	[smem:$0x3FAD] =	sst s0;
	s0 =	simm.s32 @!p1 $0x0  }
0x14: {  	s2 =	sld [smem:$0x3F91];
	s0 =	simm.s32 @p1 $0x1  }
0x15: {  	[smem:$0x3FAE] =	sst s0;
	s0 =	simm.s32 @!p2 $0x0  }
0x16: {  	s3 =	sld [smem:$0x3FDB];
	s0 =	simm.s32 @p2 $0x1  }
0x17: {  	s4 =	simm.s32 $0x1BF5;
	[smem:$0x3FB0] =	sst s0  }
0x18: {  	s0 =	sld [smem:$0x3F93];
	_ =	swait.ge [sflag:s4], $0x0  }
0x19: {  	s7 =	sld [smem:$0x3F94]  }
0x1a: {  	s8 =	sadd.s32 $0xFFFFE003, lr  }
0x1b: {  	s9 =	sadd.s32 $0xFFFFFEF7, lr;
	s5 =	simm.s32 $0xFFFFFFFF;
	p2 =	slt.u32 s8, $0xFFFFF086  }
0x1c: {  	p1 =	slt.u32 s9, $0xF7A;
	s5 =	simm.s32 @!p2 $0x0  }
0x1d: {  	s5 =	simm.s32 @p1 $0x1;
	p0 =	seq.s32 s7, s2  }
0x1e: {  	s7 =	smul.u32 @!p0 $0xF7A, s2;
	p2 =	seq.s32 @!p0 s5, $0x0  }
0x1f: {  	s9 =	smul.u32 $0xF7A, s1;
	s8 =	simm.s32 @!p0 $0x1BF5;
	p2 =	por !p2, p0  }
0x20: {  	[sflag:s8] =	ssyncset.s32 @!p0 $0xFFFFF086;
	s6 =	sadd.s32 @!p0 s3, s7;
	s7 =	simm.s32 @!p0 $0x108  }
0x21: {  	s3 =	sadd.s32 s3, s9;
	s6 =	sadd.s32 @!p0 $0x88, s6;
	s7 =	simm.s32 @p2 $0x1082  }
0x22: {  	[simem:s7], [sflag:s8] =	dma.local @!p0 [hbm:s6], $0xF7A  }
0x23: {  	s9 =	sor.u32 $0xD0000000, s2;
	s6 =	simm.s32 $0x108;
	_ =	swait.ge @!p0 [sflag:s8], $0x0  }
0x24: {  	s3 =	sadd.s32 $0x88, s3;
	s6 =	simm.s32 @!p1 $0x1082;
	[sflag:s4] =	ssyncset.s32 $0xFFFFF086  }
0x25: {  	[simem:s6], [sflag:s4] =	dma.local [hbm:s3], $0xF7A  }
0x26: {  	[smem:$0x3F94] =	sst s1;
	(tag) =	ssettag s2;
	_ =	strace s9  }
0x27: {  	s1 =	sld [smem:$0x3FA4]  }
0x28: {  	s2 =	sld [smem:$0x3FA5]  }
0x29: {  	s4 =	sld [smem:$0x3FA7]  }
0x2a: {  	p0 =	seq.s32 s5, $0x0;
	s5 =	sld [smem:$0x3FA8]  }
0x2b: {  	s6 =	sld [smem:$0x3FA9]  }
0x2c: {  	s7 =	sld [smem:$0x3FAA]  }
0x2d: {  	s3 =	simm.s32 $0x108;
	s8 =	sld [smem:$0x3FAB]  }
0x2e: {  	s3 =	simm.s32 @!p0 $0x1082;
	s9 =	sld [smem:$0x3FAC]  }
0x2f: {  	lr =	sadd.s32 s0, s3;
	s0 =	sld [smem:$0x3FA3]  }
0x30: {  	s3 =	sld [smem:$0x3FA6]  }
0x31: {  	[smem:$0x3FAF] =	sst s10  }
0x32: {  	s10 =	sld [smem:$0x3FAD];
	_ =	sdelay $0x3  }
0x33: {  	p0 =	seq.s32 s10, $0x1;
	s10 =	sld [smem:$0x3FAF];
	_ =	sdelay $0x3  }
0x34: {  	[smem:$0x3FAF] =	sst s10  }
0x35: {  	s10 =	sld [smem:$0x3FAE];
	_ =	sdelay $0x3  }
0x36: {  	p1 =	seq.s32 s10, $0x1;
	s10 =	sld [smem:$0x3FAF];
	_ =	sdelay $0x3  }
0x37: {  	[smem:$0x3FAF] =	sst s10  }
0x38: {  	s10 =	sld [smem:$0x3FB0]  }
0x39: {  	_ = 	snop;
	(pc) =	sbr.ind lr, $3  }
0x3a: {  	_ = 	snop  }
0x3b: {  	_ = 	snop  }
0x3c: {  	p2 =	seq.s32 s10, $0x1;
	s10 =	sld [smem:$0x3FAF]  }
0x3d: {  	_ =	shalt  }
0x3e: {  	_ =	shalt  }
0x3f: {  	_ =	shalt  }
0x40: {  	_ =	shalt  }
0x41: {  	_ =	shalt  }
0x42: {  	_ =	shalt  }
0x43: {  	_ =	shalt  }
0x44: {  	_ =	shalt  }
0x45: {  	_ =	shalt  }
0x46: {  	_ =	shalt  }
0x47: {  	_ =	shalt  }
0x48: {  	_ =	shalt  }
0x49: {  	_ =	shalt  }
0x4a: {  	_ =	shalt  }
0x4b: {  	_ =	shalt  }
0x4c: {  	_ =	shalt  }
0x4d: {  	_ =	shalt  }
0x4e: {  	_ =	shalt  }
0x4f: {  	_ =	shalt  }
0x50: {  	_ =	shalt  }
0x51: {  	_ =	shalt  }
0x52: {  	_ =	shalt  }
0x53: {  	_ =	shalt  }
0x54: {  	_ =	shalt  }
0x55: {  	_ =	shalt  }
0x56: {  	_ =	shalt  }
0x57: {  	_ =	shalt  }
0x58: {  	_ =	shalt  }
0x59: {  	_ =	shalt  }
0x5a: {  	_ =	shalt  }
0x5b: {  	_ =	shalt  }
0x5c: {  	_ =	shalt  }
0x5d: {  	_ =	shalt  }
0x5e: {  	_ =	shalt  }
0x5f: {  	_ =	shalt  }
0x60: {  	_ =	shalt  }
0x61: {  	_ =	shalt  }
0x62: {  	_ =	shalt  }
0x63: {  	_ =	shalt  }
0x64: {  	_ =	shalt  }
0x65: {  	_ =	shalt  }
0x66: {  	_ =	shalt  }
0x67: {  	_ =	shalt  }
0x68: {  	_ =	shalt  }
0x69: {  	_ =	shalt  }
0x6a: {  	_ =	shalt  }
0x6b: {  	_ =	shalt  }
0x6c: {  	_ =	shalt  }
0x6d: {  	_ =	shalt  }
0x6e: {  	_ =	shalt  }
0x6f: {  	_ =	shalt  }
0x70: {  	_ =	shalt  }
0x71: {  	_ =	shalt  }
0x72: {  	_ =	shalt  }
0x73: {  	_ =	shalt  }
0x74: {  	_ =	shalt  }
0x75: {  	_ =	shalt  }
0x76: {  	_ =	shalt  }
0x77: {  	_ =	shalt  }
0x78: {  	_ =	shalt  }
0x79: {  	_ =	shalt  }
0x7a: {  	_ =	shalt  }
0x7b: {  	_ =	shalt  }
0x7c: {  	_ =	shalt  }
0x7d: {  	_ =	shalt  }
0x7e: {  	_ =	shalt  }
0x7f: {  	_ =	shalt  }
0x80: {  	_ =	shalt  }
0x81: {  	_ =	shalt  }
0x82: {  	_ =	shalt  }
0x83: {  	_ =	shalt  }
0x84: {  	_ =	shalt  }
0x85: {  	_ =	shalt  }
0x86: {  	_ =	shalt  }
0x87: {  	_ =	shalt  }
.Lfunc_end0:
.L_simem_size_0:
called_computation_lowered:
.L_overlay_start_0:
0x88: {  	s2 =	sld [smem:$0x3FD9]  }
0x89: {  	s3 =	sld [smem:$0x3FFE];
	_ =	sdelay $0x1  }
0x8a: {  	s1 =	srdreg.scid  }
0x8b: {  	s0 =	sand.u32 $0x1, s1  }
0x8c: {  	s16 =	sshll.u32 s0, $0xA;
	s2 =	sadd.s32 s3, s2  }
0x8d: {  	s2 =	sadd.s32 s2, s16  }
0x8e: {  	[smem:$0x3FBB] =	sst s2  }
0x8f: {  	_ = 	snop  }
0x90: {  	(tm) =	ssettm $0x1  }
0x91: {  	s17 =	sld [smem:$0x3FFB];
	_ =	sdelay $0x3  }
0x92: {  	_ =	strace s17  }
0x93: {  	s2 =	sld [smem:$0x3FFC];
	_ =	sdelay $0x3  }
0x94: {  	_ =	strace s2  }
0x95: {  	s2 =	sld [smem:$0x3FFD];
	_ =	sdelay $0x3  }
0x96: {  	_ =	strace s2  }
0x97: {  	_ =	strace $0x8FFFFFFF  }
0x98: {  	s18 =	sld [smem:$0x3FDB];
	_ =	sdelay $0x1  }
0x99: {  	s19 =	simm.s32 $_scs_section_size  }
0x9a: {  	s4 =	simm.s32 $_size__tile_overlayer_lowered;
	s5 =	simm.s32 $_tile_overlayer_lowered  }
0x9b: {  	s22 =	simm.s32 $0x1BFF;
	s21 =	sshll.u32 s5, $0x1;
	s2 =	sadd.s32 s19, s18  }
0x9c: {  	s6 =	simm.s32 $0x0;
	s20 =	sshll.u32 s4, $0x1;
	s4 =	sadd.s32 s21, s2  }
0x9d: {  	[timem:s6], [sflag:s22] =	dma.local [hbm:s4], s20  }
0x9e: {  	_ =	swait.ge [sflag:s22], s20  }
0x9f: {  	s3 =	ssub.s32 $0x0, s20;
	[sflag:s22] =	ssyncset.done $0x0  }
0xa0: {  	[sflag:s22] =	ssyncadd.s32 s3;
	_ =	sdelay $0x1  }
0xa1: {  	s23 =	simm.s32 $0x1B8B  }
0xa2: {  	_ =	swait.ge [sflag:s23], $0x1  }
0xa3: {  	[sflag:s23] =	ssyncset.done $0x0  }
0xa4: {  	s25 =	simm.s32 $0x1B8E;
	s24 =	sld [smem:$0x3FFE];
	[sflag:s23] =	ssyncadd.s32 $0xFFFFFFFF  }
0xa5: {  	s26 =	simm.s32 $execute0_lowered;
	[smem:$0x3FD2] =	sst s25  }
0xa6: {  	s4 =	sshll.u32 s26, $0x1;
	_ =	strace $0x80000046;
	[dreg:$0x1] =	wrdreg $0xFFFFFFFF  }
0xa7: {  	s28 =	simm.s32 $_size_execute0_lowered;
	s2 =	sadd.s32 s2, s4;
	[dreg:$0x0] =	wrdreg $0x0  }
0xa8: {  	s4 =	sshll.u32 s28, $0x1;
	[dreg:$0x2] =	wrdreg s2  }
0xa9: {  	[dreg:$0x3] =	wrdreg s4  }
0xaa: {  	[dreg:$0x4] =	wrdreg $0xC0  }
0xab: {  	_ =	task [dreg:s6], $0x5FFFF  }
0xac: {  	[dreg:$0x1] =	wrdreg $0xFFFFFFFF  }
0xad: {  	[dreg:$0x0] =	wrdreg $0x60  }
0xae: {  	[dreg:$0x2] =	wrdreg s24  }
0xaf: {  	[dreg:$0x3] =	wrdreg $0x9  }
0xb0: {  	_ =	task.clear_ibuf [dreg:s6], $0x4FFFF;
	_ =	strace $0x90000046  }
0xb1: {  	s29 =	simm.s32 $0x9;
	_ =	strace $0x80000048  }
0xb2: {  	_ =	swait.ge [sflag:s29], $0x1  }
0xb3: {  	[sflag:s29] =	ssyncadd.s32 $0xFFFFFFFF  }
0xb4: {  	_ =	strace $0x90000048  }
0xb5: {  	_ =	sfence  }
0xb6: {  	s30 =	sld [smem:$0x0];
	_ =	sdelay $0x2  }
0xb7: {  	s31 =	sshll.u32 s1, $0xD;
	s1 =	sshrl.u32 s1, $0x2  }
0xb8: {  	s3 =	sand.u32 $0x4000, s31;
	s1 =	sadd.s32 s1, s30  }
0xb9: {  	s0 =	sor.u32 s3, s0;
	s1 =	sshll.u32 s1, $0x11  }
0xba: {  	s0 =	sor.u32 s1, s0  }
0xbb: {  	s0 =	sadd.s32 $0x8F2B, s0  }
0xbc: {  	[sflag:s0] =	ssyncadd.remote.s32 $0x1  }
0xbd: {  	_ =	sfence.sel $0xFFFF  }
0xbe: {  	[dreg:$0x0] =	wrdreg $0xFFFFFFFF;
	(pc) =	sbr.abs _section_cstart, $3  }
0xbf: {  	[dreg:$0x1] =	wrdreg $0xFFFFFFFF  }
0xc0: {  	_ =	task.clear_ibuf [dreg:s6], $0x2FFFF;
	_ =	strace $0x9FFFFFFF  }
0xc1: {  	(tm) =	ssettm $0x7FFFFFFF  }
tec
execute0_lowered:
.L_overlay_start_1:
0x0: {  	(tag) =	ssettag $0x1  }
0x1: {  	s2 =	rddreg [dreg:$0x0]  }
0x2: {  	s0 =	rddreg [dreg:$0x1];
	s1 =	simm.s32 $0x0;
	s3 =	srdreg.scid  }
0x3: {  	s9 =	simm.s32 $0x2000;
	s10 =	simm.s32 $0x20A0;
	s11 =	simm.s32 $0x0  }
0x4: {  	[smem:$0x7FF] =	sst s1;
	s6 =	sand.u32 $0x1, s3;
	s3 =	sadd.s32 $0x2600, s2  }
0x5: {  	s4 =	sadd.s32 $0x102600, s2;
	s5 =	sadd.s32 $0x106600, s2;
	s7 =	ssub.s32 $0x2, s6  }
0x6: {  	s2 =	stileid.u32;
	_ =	strace $0x80000047;
	s8 =	sshrl.u32 s7, $0x1  }
0x7: {  	s31 =	sshll.u32 s2, $0x6;
	s6 =	sshll.u32 s6, $0x5;
	s7 =	ssub.s32 s7, s8  }
0x8: {  	v0 =	vimm.f32 $0.0e+00;
	v1 =	vimm.s32 $0x1;
	s6 =	sor.u32 s6, s31;
	s8 =	simm.s32 $0x1;
	s7 =	smax.u32 s7, $0x1  }
.LBB2_1:
0x9: {  	s12 =	simm.s32 $0x0  }
.LBB2_2:
0xa: {  	s13 =	sadd.s32 s6, s12  }
0xb: {  	s14 =	sshll.u32 s13, $0xA  }
0xc: {  	s15 =	sadd.s32 s3, s14;
	s14 =	simm.s32 $0x0  }
0xd: {  	[tilespmem:s14], [sflag:$0x1] =	stream.linear.gather [hbm4b:s15+s14], $0x2000, $0x38;
	[tilespmem:$0x2140] =	vst v63  }
0xe: {  	_ =	swait.ge [sflag:s8], $0x2000  }
0xf: {  	[sflag:s8] =	ssyncset.done $0x0  }
0x10: {  	v2 =	vimm.s32 $0x0;
	[sflag:s8] =	ssyncadd.s32 $0xFFFFE000  }
0x11: {  	[tilespmem:$0x2000] =	vst v2  }
0x12: {  	[tilespmem:$0x20A0] =	vst v0  }
0x13: {  	[tilespmem:$0x2010] =	vst v2  }
0x14: {  	[tilespmem:$0x20B0] =	vst v0  }
0x15: {  	[tilespmem:$0x2020] =	vst v2  }
0x16: {  	[tilespmem:$0x20C0] =	vst v0  }
0x17: {  	[tilespmem:$0x2030] =	vst v2  }
0x18: {  	[tilespmem:$0x20D0] =	vst v0  }
0x19: {  	[tilespmem:$0x2040] =	vst v2  }
0x1a: {  	[tilespmem:$0x20E0] =	vst v0  }
0x1b: {  	[tilespmem:$0x2050] =	vst v2  }
0x1c: {  	[tilespmem:$0x20F0] =	vst v0  }
0x1d: {  	[tilespmem:$0x2060] =	vst v2  }
0x1e: {  	[tilespmem:$0x2100] =	vst v0  }
0x1f: {  	[tilespmem:$0x2070] =	vst v2  }
0x20: {  	[tilespmem:$0x2110] =	vst v0  }
0x21: {  	[tilespmem:$0x2080] =	vst v2  }
0x22: {  	[tilespmem:$0x2120] =	vst v0  }
0x23: {  	[tilespmem:$0x2090] =	vst v2  }
0x24: {  	s16 =	simm.s32 $0x40;
	s15 =	simm.s32 $0xFFFFFFF8;
	[tilespmem:$0x2130] =	vst v0  }
.LBB2_3:
0x25: {  	v3 =	vld [tilespmem:s16+$0xFFFFFFC0];
	_ =	sdelay $0x4  }
0x26: {  	vm0 =	vgt.f32 v3, $0.0e+00  }
0x27: {  	(xrf0) =	vadd.scan.msk.s32 vm0, v1;
	_ =	sdelay $0x5  }
0x28: {  	v4, _, _ =	vpop (xrf0)  }
0x29: {  	v4 =	vadd.s32 v4, v2  }
0x2a: {  	v4 =	vadd.s32 $0xFFFFFFFF, v4  }
0x2b: {  	vm1 =	vlt.s32 v4, $0x80  }
0x2c: {  	vm1 =	vmand vm0, vm1;
	_ =	sdelay $0x1  }
0x2d: {  	v5 =	vmov s14  }
0x2e: {  	v5 =	vshrl.u32 v5, $0x7  }
0x2f: {  	v5 =	vbroadcast v5, $0x0;
	_ =	sdelay $0x1  }
0x30: {  	[tilespmem:v4+s9+$0x0] =	vst.idx.msk vm1, v5  }
0x31: {  	[tilespmem:v4+s10+$0x0] =	vst.idx.msk vm1, v3  }
0x32: {  	v3 =	vld [tilespmem:s16+$0xFFFFFFD0];
	_ =	sdelay $0x4  }
0x33: {  	vm14 =	vgt.f32 v3, $0.0e+00  }
0x34: {  	(xrf0) =	vadd.scan.msk.s32 vm14, v1;
	_ =	sdelay $0x3  }
0x35: {  	v43 =	vmpcnt.ones.xlane vm0;
	_ =	sdelay $0x1  }
0x36: {  	v2 =	vadd.s32 v2, v43;
	v44, _, _ =	vpop (xrf0)  }
0x37: {  	v4 =	vadd.s32 v44, v2  }
0x38: {  	v4 =	vadd.s32 $0xFFFFFFFF, v4  }
0x39: {  	vm15 =	vlt.s32 v4, $0x80  }
0x3a: {  	vm0 =	vmand vm14, vm15  }
0x3b: {  	s17 =	sadd.s32 $0x10, s14  }
0x3c: {  	v45 =	vmov s17  }
0x3d: {  	v5 =	vshrl.u32 v45, $0x7  }
0x3e: {  	v5 =	vbroadcast v5, $0x0;
	_ =	sdelay $0x1  }
0x3f: {  	[tilespmem:v4+s9+$0x0] =	vst.idx.msk vm0, v5  }
0x40: {  	[tilespmem:v4+s10+$0x0] =	vst.idx.msk vm0, v3  }
0x41: {  	v3 =	vld [tilespmem:s16+$0xFFFFFFE0];
	_ =	sdelay $0x4  }
0x42: {  	vm4 =	vgt.f32 v3, $0.0e+00  }
0x43: {  	(xrf0) =	vadd.scan.msk.s32 vm4, v1;
	_ =	sdelay $0x3  }
0x44: {  	v46 =	vmpcnt.ones.xlane vm14;
	_ =	sdelay $0x1  }
0x45: {  	v2 =	vadd.s32 v2, v46;
	v47, _, _ =	vpop (xrf0)  }
0x46: {  	v4 =	vadd.s32 v47, v2  }
0x47: {  	v4 =	vadd.s32 $0xFFFFFFFF, v4  }
0x48: {  	vm5 =	vlt.s32 v4, $0x80  }
0x49: {  	vm1 =	vmand vm4, vm5  }
0x4a: {  	s25 =	sadd.s32 $0x20, s14  }
0x4b: {  	v48 =	vmov s25  }
0x4c: {  	v5 =	vshrl.u32 v48, $0x7  }
0x4d: {  	v5 =	vbroadcast v5, $0x0;
	_ =	sdelay $0x1  }
0x4e: {  	[tilespmem:v4+s9+$0x0] =	vst.idx.msk vm1, v5  }
0x4f: {  	[tilespmem:v4+s10+$0x0] =	vst.idx.msk vm1, v3  }
0x50: {  	v3 =	vld [tilespmem:s16+$0xFFFFFFF0];
	_ =	sdelay $0x4  }
0x51: {  	vm6 =	vgt.f32 v3, $0.0e+00  }
0x52: {  	(xrf0) =	vadd.scan.msk.s32 vm6, v1;
	_ =	sdelay $0x3  }
0x53: {  	v49 =	vmpcnt.ones.xlane vm4;
	_ =	sdelay $0x1  }
0x54: {  	v2 =	vadd.s32 v2, v49;
	v50, _, _ =	vpop (xrf0)  }
0x55: {  	v4 =	vadd.s32 v50, v2  }
0x56: {  	v4 =	vadd.s32 $0xFFFFFFFF, v4  }
0x57: {  	vm7 =	vlt.s32 v4, $0x80  }
0x58: {  	vm0 =	vmand vm6, vm7  }
0x59: {  	s26 =	sadd.s32 $0x30, s14  }
0x5a: {  	v51 =	vmov s26  }
0x5b: {  	v5 =	vshrl.u32 v51, $0x7  }
0x5c: {  	v5 =	vbroadcast v5, $0x0;
	_ =	sdelay $0x1  }
0x5d: {  	[tilespmem:v4+s9+$0x0] =	vst.idx.msk vm0, v5  }
0x5e: {  	[tilespmem:v4+s10+$0x0] =	vst.idx.msk vm0, v3  }
0x5f: {  	v3 =	vld [tilespmem:s16+$0x0];
	_ =	sdelay $0x4  }
0x60: {  	vm8 =	vgt.f32 v3, $0.0e+00  }
0x61: {  	(xrf0) =	vadd.scan.msk.s32 vm8, v1;
	_ =	sdelay $0x3  }
0x62: {  	v52 =	vmpcnt.ones.xlane vm6;
	_ =	sdelay $0x1  }
0x63: {  	v2 =	vadd.s32 v2, v52;
	v53, _, _ =	vpop (xrf0)  }
0x64: {  	v4 =	vadd.s32 v53, v2  }
0x65: {  	v4 =	vadd.s32 $0xFFFFFFFF, v4  }
0x66: {  	vm9 =	vlt.s32 v4, $0x80  }
0x67: {  	vm1 =	vmand vm8, vm9  }
0x68: {  	s28 =	sadd.s32 $0x40, s14  }
0x69: {  	v54 =	vmov s28  }
0x6a: {  	v5 =	vshrl.u32 v54, $0x7  }
0x6b: {  	v5 =	vbroadcast v5, $0x0;
	_ =	sdelay $0x1  }
0x6c: {  	[tilespmem:v4+s9+$0x0] =	vst.idx.msk vm1, v5  }
0x6d: {  	[tilespmem:v4+s10+$0x0] =	vst.idx.msk vm1, v3  }
0x6e: {  	v3 =	vld [tilespmem:s16+$0x10];
	_ =	sdelay $0x4  }
0x6f: {  	vm10 =	vgt.f32 v3, $0.0e+00  }
0x70: {  	(xrf0) =	vadd.scan.msk.s32 vm10, v1;
	_ =	sdelay $0x3  }
0x71: {  	v55 =	vmpcnt.ones.xlane vm8;
	_ =	sdelay $0x1  }
0x72: {  	v2 =	vadd.s32 v2, v55;
	v56, _, _ =	vpop (xrf0)  }
0x73: {  	v4 =	vadd.s32 v56, v2  }
0x74: {  	v4 =	vadd.s32 $0xFFFFFFFF, v4  }
0x75: {  	vm11 =	vlt.s32 v4, $0x80  }
0x76: {  	vm0 =	vmand vm10, vm11  }
0x77: {  	s29 =	sadd.s32 $0x50, s14  }
0x78: {  	v57 =	vmov s29  }
0x79: {  	v5 =	vshrl.u32 v57, $0x7  }
0x7a: {  	v5 =	vbroadcast v5, $0x0;
	_ =	sdelay $0x1  }
0x7b: {  	[tilespmem:v4+s9+$0x0] =	vst.idx.msk vm0, v5  }
0x7c: {  	[tilespmem:v4+s10+$0x0] =	vst.idx.msk vm0, v3  }
0x7d: {  	v3 =	vld [tilespmem:s16+$0x20];
	_ =	sdelay $0x4  }
0x7e: {  	vm12 =	vgt.f32 v3, $0.0e+00  }
0x7f: {  	(xrf0) =	vadd.scan.msk.s32 vm12, v1;
	_ =	sdelay $0x3  }
0x80: {  	v58 =	vmpcnt.ones.xlane vm10;
	_ =	sdelay $0x1  }
0x81: {  	v2 =	vadd.s32 v2, v58;
	v59, _, _ =	vpop (xrf0)  }
0x82: {  	v4 =	vadd.s32 v59, v2  }
0x83: {  	v4 =	vadd.s32 $0xFFFFFFFF, v4  }
0x84: {  	vm13 =	vlt.s32 v4, $0x80  }
0x85: {  	vm1 =	vmand vm12, vm13  }
0x86: {  	s30 =	sadd.s32 $0x60, s14  }
0x87: {  	v60 =	vmov s30  }
0x88: {  	v5 =	vshrl.u32 v60, $0x7  }
0x89: {  	v5 =	vbroadcast v5, $0x0;
	_ =	sdelay $0x1  }
0x8a: {  	[tilespmem:v4+s9+$0x0] =	vst.idx.msk vm1, v5  }
0x8b: {  	[tilespmem:v4+s10+$0x0] =	vst.idx.msk vm1, v3  }
0x8c: {  	v3 =	vld [tilespmem:s16+$0x30];
	_ =	sdelay $0x4  }
0x8d: {  	vm14 =	vgt.f32 v3, $0.0e+00  }
0x8e: {  	(xrf0) =	vadd.scan.msk.s32 vm14, v1;
	_ =	sdelay $0x3  }
0x8f: {  	v61 =	vmpcnt.ones.xlane vm12;
	_ =	sdelay $0x1  }
0x90: {  	v2 =	vadd.s32 v2, v61;
	v62, _, _ =	vpop (xrf0)  }
0x91: {  	v4 =	vadd.s32 v62, v2  }
0x92: {  	v4 =	vadd.s32 $0xFFFFFFFF, v4  }
0x93: {  	vm15 =	vlt.s32 v4, $0x80  }
0x94: {  	vm0 =	vmand vm14, vm15  }
0x95: {  	s31 =	sadd.s32 $0x70, s14;
	s15 =	sadd.s32 $0x8, s15  }
0x96: {  	v63 =	vmov s31;
	p0 =	slt.u32 s15, $0x1F8  }
.Ltmp0:
0x97: {  	v5 =	vshrl.u32 v63, $0x7;
	(pc) =	sbr.rel @p0 .LBB2_3-.Ltmp0, $4  }
0x98: {  	v5 =	vbroadcast v5, $0x0  }
0x99: {  	v6 =	vmpcnt.ones.xlane vm14  }
0x9a: {  	[tilespmem:v4+s9+$0x0] =	vst.idx.msk vm0, v5  }
0x9b: {  	s14 =	sadd.s32 $0x80, s14;
	s16 =	sadd.s32 $0x80, s16;
	v2 =	vadd.s32 v2, v6;
	[tilespmem:v4+s10+$0x0] =	vst.idx.msk vm0, v3  }
0x9c: {  	s13 =	sshll.u32 s13, $0x4  }
0x9d: {  	s14 =	sadd.s32 s4, s13  }
0x9e: {  	[hbm4b:s14+s1] =	stream.linear.scatter [tilespmem:s9], [sflag:$0x1], $0x80, $0x38;
	[tilespmem:$0x2140] =	vst v63  }
0x9f: {  	s12 =	sadd.s32 $0x1, s12;
	_ =	swait.ge [sflag:s8], $0x80  }
0xa0: {  	p0 =	sne.s32 s12, $0x20;
	[sflag:s8] =	ssyncset.done $0x0  }
.Ltmp1:
0xa1: {  	s13 =	sadd.s32 s5, s13;
	[sflag:s8] =	ssyncadd.s32 $0xFFFFFF80;
	(pc) =	sbr.rel @p0 .LBB2_2-.Ltmp1, $4  }
0xa2: {  	[hbm4b:s13+s1] =	stream.linear.scatter [tilespmem:s10], [sflag:$0x1], $0x80, $0x38;
	[tilespmem:$0x2140] =	vst v63  }
0xa3: {  	_ =	swait.ge [sflag:s8], $0x80  }
0xa4: {  	[sflag:s8] =	ssyncset.done $0x0  }
0xa5: {  	[sflag:s8] =	ssyncadd.s32 $0xFFFFFF80  }
0xa6: {  	s11 =	sadd.s32 $0x1, s11  }
0xa7: {  	p0 =	sne.s32 s11, s7  }
.Ltmp2:
0xa8: {  	_ = 	snop;
	(pc) =	sbr.rel @p0 .LBB2_1-.Ltmp2, $1  }
0xa9: {  	_ =	sdelay $0x3  }
0xaa: {  	_ =	sfence.sel $0x180000  }
0xab: {  	[bflag:$0x0] =	sbarrier.arrive $0xFFFF  }
0xac: {  	p0 =	sne.s32 s2, $0x0;
	_ =	strace $0x90000047  }
0xad: {  	s0 =	sadd.s32 @!p0 $0x100000, s0;
	[bflag:$0x2] =	sbarrier.arrive $0xFFFF  }
0xae: {  	[sflag:s0] =	ssyncadd.tile.s32 @!p0 $0x1;
	_ =	shalt  }
.Lfunc_end2:
_tile_overlayer_lowered:
.L_overlay_start_2:
0xaf: {  	(tag) =	ssettag $0x2  }
0xb0: {  	s0 =	rddreg [dreg:$0x0];
	s2 =	stileid.u32  }
0xb1: {  	s1 =	rddreg [dreg:$0x1];
	p0 =	sne.s32 s2, $0x0  }
0xb2: {  	s3 =	rddreg [dreg:$0x2];
	[bflag:$0x3] =	sbarrier.arrive $0xFFFF;
	s2 =	simm.s32 @!p0 $0x1C01  }
0xb3: {  	[timem:s3], [sflag:s2] =	dma.local @!p0 [hbm:s0], s1  }
0xb4: {  	s0 =	simm.s32 @!p0 $0x1  }
0xb5: {  	_ =	swait.ge @!p0 [sflag:s0], s1  }
0xb6: {  	s1 =	ssub.s32 @!p0 $0x0, s1;
	[sflag:s0] =	ssyncset.done @!p0 $0x0  }
0xb7: {  	[sflag:s0] =	ssyncadd.s32 @!p0 s1  }
0xb8: {  	[bflag:$0x3] =	sbarrier.arrive $0xFFFF  }
0xb9: {  	_ =	shalt  }

</sc_bundles>
